<compile_context>
chip_gen: v7x
topology: tpu7x:2x2x1
jax: 0.10.2.dev20260603
libtpu: 0.0.44.dev20260713+nightly
codegen_flags: <defaults>
</compile_context>

<pallas_src>
import functools

import jax
import jax.numpy as jnp
from jax.experimental import pallas as pl
from jax.experimental.pallas import tpu as pltpu
from jax.experimental.pallas import tpu_sc as plsc

N = 32768
D = 256
H = 8
B = 16
BH = B * H
BLK = 8192

NC = 2
NS = 16
NW = NC * NS
RPW = N // NW
STEPS = RPW // 16


def _agg_kernel(seg_ref, att_ref, feat_ref, sum_ref, w_ref):
    i = pl.program_id(0)
    nsteps = pl.num_programs(0)

    @pl.when(i == 0)
    def _init():
        sum_ref[...] = jnp.zeros_like(sum_ref)
        w_ref[...] = jnp.zeros_like(w_ref)

    seg = seg_ref[...]
    att_t = att_ref[...]
    feat = feat_ref[...]

    b_idx = jax.lax.broadcasted_iota(jnp.int32, (BH, BLK), 0) // H
    seg_b = jnp.broadcast_to(seg, (BH, BLK))
    att_rep = jnp.tile(att_t, (B, 1))
    pt = jnp.where(seg_b == b_idx, att_rep, 0.0)

    sum_ref[...] += jax.lax.dot_general(
        pt, feat, (((1,), (0,)), ((), ())), preferred_element_type=jnp.float32
    )
    w_ref[...] += jax.lax.dot_general(
        pt, jnp.ones((BLK, 1), jnp.float32), (((1,), (0,)), ((), ())),
        preferred_element_type=jnp.float32,
    )

    @pl.when(i == nsteps - 1)
    def _finalize():
        w = w_ref[...]
        safe = jnp.where(w == 0.0, 1.0, w)
        avg = jnp.where(w == 0.0, 0.0, sum_ref[...] / safe)
        avg = jnp.where(jnp.isnan(avg), 1e-05, avg)
        sum_ref[...] = avg


def _sc_weights_body(att_hbm, seg_hbm, out_hbm, att_v, seg_v, acc_v, part_v,
                     shared):
    cid = jax.lax.axis_index("c")
    sid = jax.lax.axis_index("s")
    wid = sid * NC + cid
    base = wid * RPW

    pltpu.sync_copy(att_hbm.at[:, pl.ds(base, RPW)], att_v)
    pltpu.sync_copy(seg_hbm.at[pl.ds(base, RPW)], seg_v)

    lane = jax.lax.broadcasted_iota(jnp.int32, (16,), 0)
    lane_bank = lane * BH

    zeros = jnp.zeros((16,), jnp.float32)
    for k in range(16 * BH // 16):
        acc_v[pl.ds(k * 16, 16)] = zeros

    def step(j, carry):
        segs = seg_v[pl.ds(j * 16, 16)]
        idx0 = lane_bank + segs * H
        for h in range(H):
            plsc.addupdate_scatter(
                acc_v, [idx0 + h], att_v[h, pl.ds(j * 16, 16)]
            )
        return carry

    jax.lax.fori_loop(0, STEPS, step, 0)

    for k in range(BH // 16):
        s = acc_v[pl.ds(k * 16, 16)]
        for r in range(1, 16):
            s = s + acc_v[pl.ds(r * BH + k * 16, 16)]
        acc_v[pl.ds(k * 16, 16)] = s
    pltpu.sync_copy(acc_v.at[pl.ds(0, BH)], shared.at[sid])
    plsc.subcore_barrier()

    @pl.when(sid == 0)
    def _combine():
        pltpu.sync_copy(shared, part_v)
        for k in range(BH // 16):
            s = part_v[0, pl.ds(k * 16, 16)]
            for r in range(1, NS):
                s = s + part_v[r, pl.ds(k * 16, 16)]
            acc_v[pl.ds(k * 16, 16)] = s
        pltpu.sync_copy(acc_v.at[pl.ds(0, BH)], out_hbm.at[cid])


_sc_weights = functools.partial(
    pl.kernel,
    out_type=jax.ShapeDtypeStruct((NC, BH), jnp.float32),
    mesh=plsc.VectorSubcoreMesh(core_axis_name="c", subcore_axis_name="s"),
    compiler_params=pltpu.CompilerParams(
        needs_layout_passes=False, skip_device_barrier=True
    ),
    scratch_types=[
        pltpu.VMEM((H, RPW), jnp.float32),
        pltpu.VMEM((RPW,), jnp.int32),
        pltpu.VMEM((16 * BH,), jnp.float32),
        pltpu.VMEM((NS, BH), jnp.float32),
        pltpu.VMEM_SHARED((NS, BH), jnp.float32),
    ],
)(_sc_weights_body)


def kernel(flat_features, flat_att, segment_ids):
    seg2d = segment_ids.reshape(1, N)
    att_t = flat_att.T
    grid = N // BLK
    avg, _ = pl.pallas_call(
        _agg_kernel,
        grid=(grid,),
        in_specs=[
            pl.BlockSpec((1, BLK), lambda i: (0, i)),
            pl.BlockSpec((H, BLK), lambda i: (0, i)),
            pl.BlockSpec((BLK, D), lambda i: (i, 0)),
        ],
        out_specs=[
            pl.BlockSpec((BH, D), lambda i: (0, 0)),
            pl.BlockSpec((BH, 1), lambda i: (0, 0)),
        ],
        out_shape=[
            jax.ShapeDtypeStruct((BH, D), jnp.float32),
            jax.ShapeDtypeStruct((BH, 1), jnp.float32),
        ],
    )(seg2d, att_t, flat_features)
    w_parts = _sc_weights(att_t, segment_ids)
    w = (w_parts[0] + w_parts[1]).reshape(B, H)
    return avg.reshape(B, H, D), w

# --- scband reference (transcript-rebuilt; emitter-appended) ---
"""Pipeline reference for scband-attention-based-aggregation-13838384628101 (READ-ONLY COPY).

The authoritative reference and input builder live on the scoring server;
editing this copy changes nothing except your own understanding.
"""

import jax, jax.numpy as jnp
import numpy as np

N = 32768
D = 256
H = 8
B = 16

def setup_inputs(seed: int = 0) -> dict:
    key = jax.random.key(seed)
    k1, k2, k3 = jax.random.split(key, 3)
    flat_features = jax.random.normal(k1, (N, D), dtype=jnp.float32)
    flat_att = jax.random.uniform(k2, (N, H), dtype=jnp.float32)
    segment_ids = jnp.sort(jax.random.randint(k3, (N,), 0, B, dtype=jnp.int32))
    return {"flat_features": flat_features, "flat_att": flat_att, "segment_ids": segment_ids}

def reference(flat_features, flat_att, segment_ids):
    # post-normalization path (pre_normalization=False),
    # att_normalization='normalize_along_instance'
    # features_weighted_sum = sum_i a_{i,j} * f_i  per segment (ragged row)
    prod = flat_features[:, None, :] * flat_att[:, :, None]  # [N, H, D]
    features_weighted_sum = jax.ops.segment_sum(prod, segment_ids, num_segments=B)  # [B, H, D]
    weights_sum = jax.ops.segment_sum(flat_att, segment_ids, num_segments=B)  # [B, H]
    denom = weights_sum[:, :, None]
    # tf.math.divide_no_nan semantics: 0 where denom == 0
    safe_denom = jnp.where(denom == 0.0, 1.0, denom)
    features_weighted_avg = jnp.where(denom == 0.0, 0.0, features_weighted_sum / safe_denom)
    features_weighted_avg = jnp.where(jnp.isnan(features_weighted_avg), jnp.zeros_like(features_weighted_avg) + 1e-05, features_weighted_avg)
    return (features_weighted_avg, weights_sum)

if __name__ == "__main__":
    import jax
    _d = setup_inputs()
    print(jax.jit(kernel)(*tuple(_d.values())))

</pallas_src>

<mosaic_0001>
#map = affine_map<(d0, d1) -> (0, 0)>
#map1 = affine_map<(d0, d1) -> (0)>
module attributes {stable_mosaic.version = 14 : i64} {
  func.func @_sc_weights_body(%arg0: i32, %arg1: i32, %arg2: memref<8x32768xf32, #tpu.memory_space<hbm>>, %arg3: memref<32768xi32, #tpu.memory_space<hbm>>, %arg4: memref<2x128xf32, #tpu.memory_space<hbm>>, %arg5: memref<8x1024xf32, #tpu.memory_space<vmem>>, %arg6: memref<1024xi32, #tpu.memory_space<vmem>>, %arg7: memref<2048xf32, #tpu.memory_space<vmem>>, %arg8: memref<16x128xf32, #tpu.memory_space<vmem>>, %arg9: memref<16x128xf32, #tpu.memory_space<vmem_shared>>) attributes {dimension_semantics = [#tpu.dimension_semantics<core_parallel>, #tpu.dimension_semantics<subcore_parallel>], iteration_bounds = array<i64: 2, 16>, scalar_prefetch = 0 : i64, scratch_operands = 5 : i64, tpu.core_type = #tpu.core_type<sc_vector_subcore>, window_params = [{transform_indices = #map}, {transform_indices = #map1}, {transform_indices = #map}]} {
    %mul3A = arith.constant 2 : i32
    %mul3A_0 = arith.muli %arg1, %mul3A : i32
    %add3A = arith.addi %mul3A_0, %arg0 : i32
    %mul3A_1 = arith.constant 1024 : i32
    %mul3A_2 = arith.muli %add3A, %mul3A_1 : i32
    "tpu.region"() ({
      %run_scoped3A = tpu.sem_alloc : memref<!tpu.dma_semaphore, #tpu.memory_space<semaphore_mem>>
      %dma_start3A = arith.constant 0 : i32
      %dma_start3A_660 = tpu.memref_slice %arg2[%dma_start3A, %mul3A_2] : memref<8x32768xf32, #tpu.memory_space<hbm>> -> memref<8x1024xf32, #tpu.memory_space<hbm>>
      %dma_start3A_661 = arith.constant 0 : i32
      %dma_start3A_662 = tpu.memref_slice %arg2[%dma_start3A_661, %mul3A_2] : memref<8x32768xf32, #tpu.memory_space<hbm>> -> memref<8x1024xf32, #tpu.memory_space<hbm>>
      tpu.enqueue_dma source(%dma_start3A_662 : memref<8x1024xf32, #tpu.memory_space<hbm>>) target(%arg5 : memref<8x1024xf32, #tpu.memory_space<vmem>>) target_semaphore(%run_scoped3A : memref<!tpu.dma_semaphore, #tpu.memory_space<semaphore_mem>>)
      %dma_wait3A = arith.constant 0 : i32
      %dma_wait3A_663 = tpu.memref_slice %arg2[%dma_wait3A, %mul3A_2] : memref<8x32768xf32, #tpu.memory_space<hbm>> -> memref<8x1024xf32, #tpu.memory_space<hbm>>
      %dma_wait3A_664 = arith.constant 0 : i32
      %dma_wait3A_665 = tpu.memref_slice %arg2[%dma_wait3A_664, %mul3A_2] : memref<8x32768xf32, #tpu.memory_space<hbm>> -> memref<8x1024xf32, #tpu.memory_space<hbm>>
      tpu.wait_dma2 semaphore(%run_scoped3A : memref<!tpu.dma_semaphore, #tpu.memory_space<semaphore_mem>>) src(%dma_wait3A_665 : memref<8x1024xf32, #tpu.memory_space<hbm>>) dst(%arg5 : memref<8x1024xf32, #tpu.memory_space<vmem>>)
      tpu.yield
    }) : () -> ()
    "tpu.region"() ({
      %run_scoped3A = tpu.sem_alloc : memref<!tpu.dma_semaphore, #tpu.memory_space<semaphore_mem>>
      %dma_start3A = tpu.memref_slice %arg3[%mul3A_2] : memref<32768xi32, #tpu.memory_space<hbm>> -> memref<1024xi32, #tpu.memory_space<hbm>>
      %dma_start3A_660 = tpu.memref_slice %arg3[%mul3A_2] : memref<32768xi32, #tpu.memory_space<hbm>> -> memref<1024xi32, #tpu.memory_space<hbm>>
      tpu.enqueue_dma source(%dma_start3A_660 : memref<1024xi32, #tpu.memory_space<hbm>>) target(%arg6 : memref<1024xi32, #tpu.memory_space<vmem>>) target_semaphore(%run_scoped3A : memref<!tpu.dma_semaphore, #tpu.memory_space<semaphore_mem>>)
      %dma_wait3A = tpu.memref_slice %arg3[%mul3A_2] : memref<32768xi32, #tpu.memory_space<hbm>> -> memref<1024xi32, #tpu.memory_space<hbm>>
      %dma_wait3A_661 = tpu.memref_slice %arg3[%mul3A_2] : memref<32768xi32, #tpu.memory_space<hbm>> -> memref<1024xi32, #tpu.memory_space<hbm>>
      tpu.wait_dma2 semaphore(%run_scoped3A : memref<!tpu.dma_semaphore, #tpu.memory_space<semaphore_mem>>) src(%dma_wait3A_661 : memref<1024xi32, #tpu.memory_space<hbm>>) dst(%arg6 : memref<1024xi32, #tpu.memory_space<vmem>>)
      tpu.yield
    }) : () -> ()
    %iota3A = tpu.iota {dimensions = array<i32: 0>} : vector<16xi32>
    %mul3A_3 = arith.constant 128 : i32
    %mul3A_4 = vector.broadcast %mul3A_3 : i32 to vector<16xi32>
    %mul3A_5 = arith.muli %iota3A, %mul3A_4 : vector<16xi32>
    %broadcast_in_dim3A = arith.constant 0.000000e+00 : f32
    %broadcast_in_dim3A_6 = vector.broadcast %broadcast_in_dim3A : f32 to vector<16xf32>
    %swap3A = arith.constant 0 : index
    %swap3A_7 = tpu.vector_load %arg7[%swap3A] {strides = array<i32>} : memref<2048xf32, #tpu.memory_space<vmem>>, vector<16xf32>,
    tpu.vector_store %arg7[%swap3A], %broadcast_in_dim3A_6 {strides = array<i32>} : memref<2048xf32, #tpu.memory_space<vmem>>, vector<16xf32>,
    %swap3A_8 = arith.constant 16 : index
    %swap3A_9 = tpu.vector_load %arg7[%swap3A_8] {strides = array<i32>} : memref<2048xf32, #tpu.memory_space<vmem>>, vector<16xf32>,
    tpu.vector_store %arg7[%swap3A_8], %broadcast_in_dim3A_6 {strides = array<i32>} : memref<2048xf32, #tpu.memory_space<vmem>>, vector<16xf32>,
    %swap3A_10 = arith.constant 32 : index
    %swap3A_11 = tpu.vector_load %arg7[%swap3A_10] {strides = array<i32>} : memref<2048xf32, #tpu.memory_space<vmem>>, vector<16xf32>,
    tpu.vector_store %arg7[%swap3A_10], %broadcast_in_dim3A_6 {strides = array<i32>} : memref<2048xf32, #tpu.memory_space<vmem>>, vector<16xf32>,
    %swap3A_12 = arith.constant 48 : index
    %swap3A_13 = tpu.vector_load %arg7[%swap3A_12] {strides = array<i32>} : memref<2048xf32, #tpu.memory_space<vmem>>, vector<16xf32>,
    tpu.vector_store %arg7[%swap3A_12], %broadcast_in_dim3A_6 {strides = array<i32>} : memref<2048xf32, #tpu.memory_space<vmem>>, vector<16xf32>,
    %swap3A_14 = arith.constant 64 : index
    %swap3A_15 = tpu.vector_load %arg7[%swap3A_14] {strides = array<i32>} : memref<2048xf32, #tpu.memory_space<vmem>>, vector<16xf32>,
    tpu.vector_store %arg7[%swap3A_14], %broadcast_in_dim3A_6 {strides = array<i32>} : memref<2048xf32, #tpu.memory_space<vmem>>, vector<16xf32>,
    %swap3A_16 = arith.constant 80 : index
    %swap3A_17 = tpu.vector_load %arg7[%swap3A_16] {strides = array<i32>} : memref<2048xf32, #tpu.memory_space<vmem>>, vector<16xf32>,
    tpu.vector_store %arg7[%swap3A_16], %broadcast_in_dim3A_6 {strides = array<i32>} : memref<2048xf32, #tpu.memory_space<vmem>>, vector<16xf32>,
    %swap3A_18 = arith.constant 96 : index
    %swap3A_19 = tpu.vector_load %arg7[%swap3A_18] {strides = array<i32>} : memref<2048xf32, #tpu.memory_space<vmem>>, vector<16xf32>,
    tpu.vector_store %arg7[%swap3A_18], %broadcast_in_dim3A_6 {strides = array<i32>} : memref<2048xf32, #tpu.memory_space<vmem>>, vector<16xf32>,
    %swap3A_20 = arith.constant 112 : index
    %swap3A_21 = tpu.vector_load %arg7[%swap3A_20] {strides = array<i32>} : memref<2048xf32, #tpu.memory_space<vmem>>, vector<16xf32>,
    tpu.vector_store %arg7[%swap3A_20], %broadcast_in_dim3A_6 {strides = array<i32>} : memref<2048xf32, #tpu.memory_space<vmem>>, vector<16xf32>,
    %swap3A_22 = arith.constant 128 : index
    %swap3A_23 = tpu.vector_load %arg7[%swap3A_22] {strides = array<i32>} : memref<2048xf32, #tpu.memory_space<vmem>>, vector<16xf32>,
    tpu.vector_store %arg7[%swap3A_22], %broadcast_in_dim3A_6 {strides = array<i32>} : memref<2048xf32, #tpu.memory_space<vmem>>, vector<16xf32>,
    %swap3A_24 = arith.constant 144 : index
    %swap3A_25 = tpu.vector_load %arg7[%swap3A_24] {strides = array<i32>} : memref<2048xf32, #tpu.memory_space<vmem>>, vector<16xf32>,
    tpu.vector_store %arg7[%swap3A_24], %broadcast_in_dim3A_6 {strides = array<i32>} : memref<2048xf32, #tpu.memory_space<vmem>>, vector<16xf32>,
    %swap3A_26 = arith.constant 160 : index
    %swap3A_27 = tpu.vector_load %arg7[%swap3A_26] {strides = array<i32>} : memref<2048xf32, #tpu.memory_space<vmem>>, vector<16xf32>,
    tpu.vector_store %arg7[%swap3A_26], %broadcast_in_dim3A_6 {strides = array<i32>} : memref<2048xf32, #tpu.memory_space<vmem>>, vector<16xf32>,
    %swap3A_28 = arith.constant 176 : index
    %swap3A_29 = tpu.vector_load %arg7[%swap3A_28] {strides = array<i32>} : memref<2048xf32, #tpu.memory_space<vmem>>, vector<16xf32>,
    tpu.vector_store %arg7[%swap3A_28], %broadcast_in_dim3A_6 {strides = array<i32>} : memref<2048xf32, #tpu.memory_space<vmem>>, vector<16xf32>,
    %swap3A_30 = arith.constant 192 : index
    %swap3A_31 = tpu.vector_load %arg7[%swap3A_30] {strides = array<i32>} : memref<2048xf32, #tpu.memory_space<vmem>>, vector<16xf32>,
    tpu.vector_store %arg7[%swap3A_30], %broadcast_in_dim3A_6 {strides = array<i32>} : memref<2048xf32, #tpu.memory_space<vmem>>, vector<16xf32>,
    %swap3A_32 = arith.constant 208 : index
    %swap3A_33 = tpu.vector_load %arg7[%swap3A_32] {strides = array<i32>} : memref<2048xf32, #tpu.memory_space<vmem>>, vector<16xf32>,
    tpu.vector_store %arg7[%swap3A_32], %broadcast_in_dim3A_6 {strides = array<i32>} : memref<2048xf32, #tpu.memory_space<vmem>>, vector<16xf32>,
    %swap3A_34 = arith.constant 224 : index
    %swap3A_35 = tpu.vector_load %arg7[%swap3A_34] {strides = array<i32>} : memref<2048xf32, #tpu.memory_space<vmem>>, vector<16xf32>,
    tpu.vector_store %arg7[%swap3A_34], %broadcast_in_dim3A_6 {strides = array<i32>} : memref<2048xf32, #tpu.memory_space<vmem>>, vector<16xf32>,
    %swap3A_36 = arith.constant 240 : index
    %swap3A_37 = tpu.vector_load %arg7[%swap3A_36] {strides = array<i32>} : memref<2048xf32, #tpu.memory_space<vmem>>, vector<16xf32>,
    tpu.vector_store %arg7[%swap3A_36], %broadcast_in_dim3A_6 {strides = array<i32>} : memref<2048xf32, #tpu.memory_space<vmem>>, vector<16xf32>,
    %swap3A_38 = arith.constant 256 : index
    %swap3A_39 = tpu.vector_load %arg7[%swap3A_38] {strides = array<i32>} : memref<2048xf32, #tpu.memory_space<vmem>>, vector<16xf32>,
    tpu.vector_store %arg7[%swap3A_38], %broadcast_in_dim3A_6 {strides = array<i32>} : memref<2048xf32, #tpu.memory_space<vmem>>, vector<16xf32>,
    %swap3A_40 = arith.constant 272 : index
    %swap3A_41 = tpu.vector_load %arg7[%swap3A_40] {strides = array<i32>} : memref<2048xf32, #tpu.memory_space<vmem>>, vector<16xf32>,
    tpu.vector_store %arg7[%swap3A_40], %broadcast_in_dim3A_6 {strides = array<i32>} : memref<2048xf32, #tpu.memory_space<vmem>>, vector<16xf32>,
    %swap3A_42 = arith.constant 288 : index
    %swap3A_43 = tpu.vector_load %arg7[%swap3A_42] {strides = array<i32>} : memref<2048xf32, #tpu.memory_space<vmem>>, vector<16xf32>,
    tpu.vector_store %arg7[%swap3A_42], %broadcast_in_dim3A_6 {strides = array<i32>} : memref<2048xf32, #tpu.memory_space<vmem>>, vector<16xf32>,
    %swap3A_44 = arith.constant 304 : index
    %swap3A_45 = tpu.vector_load %arg7[%swap3A_44] {strides = array<i32>} : memref<2048xf32, #tpu.memory_space<vmem>>, vector<16xf32>,
    tpu.vector_store %arg7[%swap3A_44], %broadcast_in_dim3A_6 {strides = array<i32>} : memref<2048xf32, #tpu.memory_space<vmem>>, vector<16xf32>,
    %swap3A_46 = arith.constant 320 : index
    %swap3A_47 = tpu.vector_load %arg7[%swap3A_46] {strides = array<i32>} : memref<2048xf32, #tpu.memory_space<vmem>>, vector<16xf32>,
    tpu.vector_store %arg7[%swap3A_46], %broadcast_in_dim3A_6 {strides = array<i32>} : memref<2048xf32, #tpu.memory_space<vmem>>, vector<16xf32>,
    %swap3A_48 = arith.constant 336 : index
    %swap3A_49 = tpu.vector_load %arg7[%swap3A_48] {strides = array<i32>} : memref<2048xf32, #tpu.memory_space<vmem>>, vector<16xf32>,
    tpu.vector_store %arg7[%swap3A_48], %broadcast_in_dim3A_6 {strides = array<i32>} : memref<2048xf32, #tpu.memory_space<vmem>>, vector<16xf32>,
    %swap3A_50 = arith.constant 352 : index
    %swap3A_51 = tpu.vector_load %arg7[%swap3A_50] {strides = array<i32>} : memref<2048xf32, #tpu.memory_space<vmem>>, vector<16xf32>,
    tpu.vector_store %arg7[%swap3A_50], %broadcast_in_dim3A_6 {strides = array<i32>} : memref<2048xf32, #tpu.memory_space<vmem>>, vector<16xf32>,
    %swap3A_52 = arith.constant 368 : index
    %swap3A_53 = tpu.vector_load %arg7[%swap3A_52] {strides = array<i32>} : memref<2048xf32, #tpu.memory_space<vmem>>, vector<16xf32>,
    tpu.vector_store %arg7[%swap3A_52], %broadcast_in_dim3A_6 {strides = array<i32>} : memref<2048xf32, #tpu.memory_space<vmem>>, vector<16xf32>,
    %swap3A_54 = arith.constant 384 : index
    %swap3A_55 = tpu.vector_load %arg7[%swap3A_54] {strides = array<i32>} : memref<2048xf32, #tpu.memory_space<vmem>>, vector<16xf32>,
    tpu.vector_store %arg7[%swap3A_54], %broadcast_in_dim3A_6 {strides = array<i32>} : memref<2048xf32, #tpu.memory_space<vmem>>, vector<16xf32>,
    %swap3A_56 = arith.constant 400 : index
    %swap3A_57 = tpu.vector_load %arg7[%swap3A_56] {strides = array<i32>} : memref<2048xf32, #tpu.memory_space<vmem>>, vector<16xf32>,
    tpu.vector_store %arg7[%swap3A_56], %broadcast_in_dim3A_6 {strides = array<i32>} : memref<2048xf32, #tpu.memory_space<vmem>>, vector<16xf32>,
    %swap3A_58 = arith.constant 416 : index
    %swap3A_59 = tpu.vector_load %arg7[%swap3A_58] {strides = array<i32>} : memref<2048xf32, #tpu.memory_space<vmem>>, vector<16xf32>,
    tpu.vector_store %arg7[%swap3A_58], %broadcast_in_dim3A_6 {strides = array<i32>} : memref<2048xf32, #tpu.memory_space<vmem>>, vector<16xf32>,
    %swap3A_60 = arith.constant 432 : index
    %swap3A_61 = tpu.vector_load %arg7[%swap3A_60] {strides = array<i32>} : memref<2048xf32, #tpu.memory_space<vmem>>, vector<16xf32>,
    tpu.vector_store %arg7[%swap3A_60], %broadcast_in_dim3A_6 {strides = array<i32>} : memref<2048xf32, #tpu.memory_space<vmem>>, vector<16xf32>,
    %swap3A_62 = arith.constant 448 : index
    %swap3A_63 = tpu.vector_load %arg7[%swap3A_62] {strides = array<i32>} : memref<2048xf32, #tpu.memory_space<vmem>>, vector<16xf32>,
    tpu.vector_store %arg7[%swap3A_62], %broadcast_in_dim3A_6 {strides = array<i32>} : memref<2048xf32, #tpu.memory_space<vmem>>, vector<16xf32>,
    %swap3A_64 = arith.constant 464 : index
    %swap3A_65 = tpu.vector_load %arg7[%swap3A_64] {strides = array<i32>} : memref<2048xf32, #tpu.memory_space<vmem>>, vector<16xf32>,
    tpu.vector_store %arg7[%swap3A_64], %broadcast_in_dim3A_6 {strides = array<i32>} : memref<2048xf32, #tpu.memory_space<vmem>>, vector<16xf32>,
    %swap3A_66 = arith.constant 480 : index
    %swap3A_67 = tpu.vector_load %arg7[%swap3A_66] {strides = array<i32>} : memref<2048xf32, #tpu.memory_space<vmem>>, vector<16xf32>,
    tpu.vector_store %arg7[%swap3A_66], %broadcast_in_dim3A_6 {strides = array<i32>} : memref<2048xf32, #tpu.memory_space<vmem>>, vector<16xf32>,
    %swap3A_68 = arith.constant 496 : index
    %swap3A_69 = tpu.vector_load %arg7[%swap3A_68] {strides = array<i32>} : memref<2048xf32, #tpu.memory_space<vmem>>, vector<16xf32>,
    tpu.vector_store %arg7[%swap3A_68], %broadcast_in_dim3A_6 {strides = array<i32>} : memref<2048xf32, #tpu.memory_space<vmem>>, vector<16xf32>,
    %swap3A_70 = arith.constant 512 : index
    %swap3A_71 = tpu.vector_load %arg7[%swap3A_70] {strides = array<i32>} : memref<2048xf32, #tpu.memory_space<vmem>>, vector<16xf32>,
    tpu.vector_store %arg7[%swap3A_70], %broadcast_in_dim3A_6 {strides = array<i32>} : memref<2048xf32, #tpu.memory_space<vmem>>, vector<16xf32>,
    %swap3A_72 = arith.constant 528 : index
    %swap3A_73 = tpu.vector_load %arg7[%swap3A_72] {strides = array<i32>} : memref<2048xf32, #tpu.memory_space<vmem>>, vector<16xf32>,
    tpu.vector_store %arg7[%swap3A_72], %broadcast_in_dim3A_6 {strides = array<i32>} : memref<2048xf32, #tpu.memory_space<vmem>>, vector<16xf32>,
    %swap3A_74 = arith.constant 544 : index
    %swap3A_75 = tpu.vector_load %arg7[%swap3A_74] {strides = array<i32>} : memref<2048xf32, #tpu.memory_space<vmem>>, vector<16xf32>,
    tpu.vector_store %arg7[%swap3A_74], %broadcast_in_dim3A_6 {strides = array<i32>} : memref<2048xf32, #tpu.memory_space<vmem>>, vector<16xf32>,
    %swap3A_76 = arith.constant 560 : index
    %swap3A_77 = tpu.vector_load %arg7[%swap3A_76] {strides = array<i32>} : memref<2048xf32, #tpu.memory_space<vmem>>, vector<16xf32>,
    tpu.vector_store %arg7[%swap3A_76], %broadcast_in_dim3A_6 {strides = array<i32>} : memref<2048xf32, #tpu.memory_space<vmem>>, vector<16xf32>,
    %swap3A_78 = arith.constant 576 : index
    %swap3A_79 = tpu.vector_load %arg7[%swap3A_78] {strides = array<i32>} : memref<2048xf32, #tpu.memory_space<vmem>>, vector<16xf32>,
    tpu.vector_store %arg7[%swap3A_78], %broadcast_in_dim3A_6 {strides = array<i32>} : memref<2048xf32, #tpu.memory_space<vmem>>, vector<16xf32>,
    %swap3A_80 = arith.constant 592 : index
    %swap3A_81 = tpu.vector_load %arg7[%swap3A_80] {strides = array<i32>} : memref<2048xf32, #tpu.memory_space<vmem>>, vector<16xf32>,
    tpu.vector_store %arg7[%swap3A_80], %broadcast_in_dim3A_6 {strides = array<i32>} : memref<2048xf32, #tpu.memory_space<vmem>>, vector<16xf32>,
    %swap3A_82 = arith.constant 608 : index
    %swap3A_83 = tpu.vector_load %arg7[%swap3A_82] {strides = array<i32>} : memref<2048xf32, #tpu.memory_space<vmem>>, vector<16xf32>,
    tpu.vector_store %arg7[%swap3A_82], %broadcast_in_dim3A_6 {strides = array<i32>} : memref<2048xf32, #tpu.memory_space<vmem>>, vector<16xf32>,
    %swap3A_84 = arith.constant 624 : index
    %swap3A_85 = tpu.vector_load %arg7[%swap3A_84] {strides = array<i32>} : memref<2048xf32, #tpu.memory_space<vmem>>, vector<16xf32>,
    tpu.vector_store %arg7[%swap3A_84], %broadcast_in_dim3A_6 {strides = array<i32>} : memref<2048xf32, #tpu.memory_space<vmem>>, vector<16xf32>,
    %swap3A_86 = arith.constant 640 : index
    %swap3A_87 = tpu.vector_load %arg7[%swap3A_86] {strides = array<i32>} : memref<2048xf32, #tpu.memory_space<vmem>>, vector<16xf32>,
    tpu.vector_store %arg7[%swap3A_86], %broadcast_in_dim3A_6 {strides = array<i32>} : memref<2048xf32, #tpu.memory_space<vmem>>, vector<16xf32>,
    %swap3A_88 = arith.constant 656 : index
    %swap3A_89 = tpu.vector_load %arg7[%swap3A_88] {strides = array<i32>} : memref<2048xf32, #tpu.memory_space<vmem>>, vector<16xf32>,
    tpu.vector_store %arg7[%swap3A_88], %broadcast_in_dim3A_6 {strides = array<i32>} : memref<2048xf32, #tpu.memory_space<vmem>>, vector<16xf32>,
    %swap3A_90 = arith.constant 672 : index
    %swap3A_91 = tpu.vector_load %arg7[%swap3A_90] {strides = array<i32>} : memref<2048xf32, #tpu.memory_space<vmem>>, vector<16xf32>,
    tpu.vector_store %arg7[%swap3A_90], %broadcast_in_dim3A_6 {strides = array<i32>} : memref<2048xf32, #tpu.memory_space<vmem>>, vector<16xf32>,
    %swap3A_92 = arith.constant 688 : index
    %swap3A_93 = tpu.vector_load %arg7[%swap3A_92] {strides = array<i32>} : memref<2048xf32, #tpu.memory_space<vmem>>, vector<16xf32>,
    tpu.vector_store %arg7[%swap3A_92], %broadcast_in_dim3A_6 {strides = array<i32>} : memref<2048xf32, #tpu.memory_space<vmem>>, vector<16xf32>,
    %swap3A_94 = arith.constant 704 : index
    %swap3A_95 = tpu.vector_load %arg7[%swap3A_94] {strides = array<i32>} : memref<2048xf32, #tpu.memory_space<vmem>>, vector<16xf32>,
    tpu.vector_store %arg7[%swap3A_94], %broadcast_in_dim3A_6 {strides = array<i32>} : memref<2048xf32, #tpu.memory_space<vmem>>, vector<16xf32>,
    %swap3A_96 = arith.constant 720 : index
    %swap3A_97 = tpu.vector_load %arg7[%swap3A_96] {strides = array<i32>} : memref<2048xf32, #tpu.memory_space<vmem>>, vector<16xf32>,
    tpu.vector_store %arg7[%swap3A_96], %broadcast_in_dim3A_6 {strides = array<i32>} : memref<2048xf32, #tpu.memory_space<vmem>>, vector<16xf32>,
    %swap3A_98 = arith.constant 736 : index
    %swap3A_99 = tpu.vector_load %arg7[%swap3A_98] {strides = array<i32>} : memref<2048xf32, #tpu.memory_space<vmem>>, vector<16xf32>,
    tpu.vector_store %arg7[%swap3A_98], %broadcast_in_dim3A_6 {strides = array<i32>} : memref<2048xf32, #tpu.memory_space<vmem>>, vector<16xf32>,
    %swap3A_100 = arith.constant 752 : index
    %swap3A_101 = tpu.vector_load %arg7[%swap3A_100] {strides = array<i32>} : memref<2048xf32, #tpu.memory_space<vmem>>, vector<16xf32>,
    tpu.vector_store %arg7[%swap3A_100], %broadcast_in_dim3A_6 {strides = array<i32>} : memref<2048xf32, #tpu.memory_space<vmem>>, vector<16xf32>,
    %swap3A_102 = arith.constant 768 : index
    %swap3A_103 = tpu.vector_load %arg7[%swap3A_102] {strides = array<i32>} : memref<2048xf32, #tpu.memory_space<vmem>>, vector<16xf32>,
    tpu.vector_store %arg7[%swap3A_102], %broadcast_in_dim3A_6 {strides = array<i32>} : memref<2048xf32, #tpu.memory_space<vmem>>, vector<16xf32>,
    %swap3A_104 = arith.constant 784 : index
    %swap3A_105 = tpu.vector_load %arg7[%swap3A_104] {strides = array<i32>} : memref<2048xf32, #tpu.memory_space<vmem>>, vector<16xf32>,
    tpu.vector_store %arg7[%swap3A_104], %broadcast_in_dim3A_6 {strides = array<i32>} : memref<2048xf32, #tpu.memory_space<vmem>>, vector<16xf32>,
    %swap3A_106 = arith.constant 800 : index
    %swap3A_107 = tpu.vector_load %arg7[%swap3A_106] {strides = array<i32>} : memref<2048xf32, #tpu.memory_space<vmem>>, vector<16xf32>,
    tpu.vector_store %arg7[%swap3A_106], %broadcast_in_dim3A_6 {strides = array<i32>} : memref<2048xf32, #tpu.memory_space<vmem>>, vector<16xf32>,
    %swap3A_108 = arith.constant 816 : index
    %swap3A_109 = tpu.vector_load %arg7[%swap3A_108] {strides = array<i32>} : memref<2048xf32, #tpu.memory_space<vmem>>, vector<16xf32>,
    tpu.vector_store %arg7[%swap3A_108], %broadcast_in_dim3A_6 {strides = array<i32>} : memref<2048xf32, #tpu.memory_space<vmem>>, vector<16xf32>,
    %swap3A_110 = arith.constant 832 : index
    %swap3A_111 = tpu.vector_load %arg7[%swap3A_110] {strides = array<i32>} : memref<2048xf32, #tpu.memory_space<vmem>>, vector<16xf32>,
    tpu.vector_store %arg7[%swap3A_110], %broadcast_in_dim3A_6 {strides = array<i32>} : memref<2048xf32, #tpu.memory_space<vmem>>, vector<16xf32>,
    %swap3A_112 = arith.constant 848 : index
    %swap3A_113 = tpu.vector_load %arg7[%swap3A_112] {strides = array<i32>} : memref<2048xf32, #tpu.memory_space<vmem>>, vector<16xf32>,
    tpu.vector_store %arg7[%swap3A_112], %broadcast_in_dim3A_6 {strides = array<i32>} : memref<2048xf32, #tpu.memory_space<vmem>>, vector<16xf32>,
    %swap3A_114 = arith.constant 864 : index
    %swap3A_115 = tpu.vector_load %arg7[%swap3A_114] {strides = array<i32>} : memref<2048xf32, #tpu.memory_space<vmem>>, vector<16xf32>,
    tpu.vector_store %arg7[%swap3A_114], %broadcast_in_dim3A_6 {strides = array<i32>} : memref<2048xf32, #tpu.memory_space<vmem>>, vector<16xf32>,
    %swap3A_116 = arith.constant 880 : index
    %swap3A_117 = tpu.vector_load %arg7[%swap3A_116] {strides = array<i32>} : memref<2048xf32, #tpu.memory_space<vmem>>, vector<16xf32>,
    tpu.vector_store %arg7[%swap3A_116], %broadcast_in_dim3A_6 {strides = array<i32>} : memref<2048xf32, #tpu.memory_space<vmem>>, vector<16xf32>,
    %swap3A_118 = arith.constant 896 : index
    %swap3A_119 = tpu.vector_load %arg7[%swap3A_118] {strides = array<i32>} : memref<2048xf32, #tpu.memory_space<vmem>>, vector<16xf32>,
    tpu.vector_store %arg7[%swap3A_118], %broadcast_in_dim3A_6 {strides = array<i32>} : memref<2048xf32, #tpu.memory_space<vmem>>, vector<16xf32>,
    %swap3A_120 = arith.constant 912 : index
    %swap3A_121 = tpu.vector_load %arg7[%swap3A_120] {strides = array<i32>} : memref<2048xf32, #tpu.memory_space<vmem>>, vector<16xf32>,
    tpu.vector_store %arg7[%swap3A_120], %broadcast_in_dim3A_6 {strides = array<i32>} : memref<2048xf32, #tpu.memory_space<vmem>>, vector<16xf32>,
    %swap3A_122 = arith.constant 928 : index
    %swap3A_123 = tpu.vector_load %arg7[%swap3A_122] {strides = array<i32>} : memref<2048xf32, #tpu.memory_space<vmem>>, vector<16xf32>,
    tpu.vector_store %arg7[%swap3A_122], %broadcast_in_dim3A_6 {strides = array<i32>} : memref<2048xf32, #tpu.memory_space<vmem>>, vector<16xf32>,
    %swap3A_124 = arith.constant 944 : index
    %swap3A_125 = tpu.vector_load %arg7[%swap3A_124] {strides = array<i32>} : memref<2048xf32, #tpu.memory_space<vmem>>, vector<16xf32>,
    tpu.vector_store %arg7[%swap3A_124], %broadcast_in_dim3A_6 {strides = array<i32>} : memref<2048xf32, #tpu.memory_space<vmem>>, vector<16xf32>,
    %swap3A_126 = arith.constant 960 : index
    %swap3A_127 = tpu.vector_load %arg7[%swap3A_126] {strides = array<i32>} : memref<2048xf32, #tpu.memory_space<vmem>>, vector<16xf32>,
    tpu.vector_store %arg7[%swap3A_126], %broadcast_in_dim3A_6 {strides = array<i32>} : memref<2048xf32, #tpu.memory_space<vmem>>, vector<16xf32>,
    %swap3A_128 = arith.constant 976 : index
    %swap3A_129 = tpu.vector_load %arg7[%swap3A_128] {strides = array<i32>} : memref<2048xf32, #tpu.memory_space<vmem>>, vector<16xf32>,
    tpu.vector_store %arg7[%swap3A_128], %broadcast_in_dim3A_6 {strides = array<i32>} : memref<2048xf32, #tpu.memory_space<vmem>>, vector<16xf32>,
    %swap3A_130 = arith.constant 992 : index
    %swap3A_131 = tpu.vector_load %arg7[%swap3A_130] {strides = array<i32>} : memref<2048xf32, #tpu.memory_space<vmem>>, vector<16xf32>,
    tpu.vector_store %arg7[%swap3A_130], %broadcast_in_dim3A_6 {strides = array<i32>} : memref<2048xf32, #tpu.memory_space<vmem>>, vector<16xf32>,
    %swap3A_132 = arith.constant 1008 : index
    %swap3A_133 = tpu.vector_load %arg7[%swap3A_132] {strides = array<i32>} : memref<2048xf32, #tpu.memory_space<vmem>>, vector<16xf32>,
    tpu.vector_store %arg7[%swap3A_132], %broadcast_in_dim3A_6 {strides = array<i32>} : memref<2048xf32, #tpu.memory_space<vmem>>, vector<16xf32>,
    %swap3A_134 = arith.constant 1024 : index
    %swap3A_135 = tpu.vector_load %arg7[%swap3A_134] {strides = array<i32>} : memref<2048xf32, #tpu.memory_space<vmem>>, vector<16xf32>,
    tpu.vector_store %arg7[%swap3A_134], %broadcast_in_dim3A_6 {strides = array<i32>} : memref<2048xf32, #tpu.memory_space<vmem>>, vector<16xf32>,
    %swap3A_136 = arith.constant 1040 : index
    %swap3A_137 = tpu.vector_load %arg7[%swap3A_136] {strides = array<i32>} : memref<2048xf32, #tpu.memory_space<vmem>>, vector<16xf32>,
    tpu.vector_store %arg7[%swap3A_136], %broadcast_in_dim3A_6 {strides = array<i32>} : memref<2048xf32, #tpu.memory_space<vmem>>, vector<16xf32>,
    %swap3A_138 = arith.constant 1056 : index
    %swap3A_139 = tpu.vector_load %arg7[%swap3A_138] {strides = array<i32>} : memref<2048xf32, #tpu.memory_space<vmem>>, vector<16xf32>,
    tpu.vector_store %arg7[%swap3A_138], %broadcast_in_dim3A_6 {strides = array<i32>} : memref<2048xf32, #tpu.memory_space<vmem>>, vector<16xf32>,
    %swap3A_140 = arith.constant 1072 : index
    %swap3A_141 = tpu.vector_load %arg7[%swap3A_140] {strides = array<i32>} : memref<2048xf32, #tpu.memory_space<vmem>>, vector<16xf32>,
    tpu.vector_store %arg7[%swap3A_140], %broadcast_in_dim3A_6 {strides = array<i32>} : memref<2048xf32, #tpu.memory_space<vmem>>, vector<16xf32>,
    %swap3A_142 = arith.constant 1088 : index
    %swap3A_143 = tpu.vector_load %arg7[%swap3A_142] {strides = array<i32>} : memref<2048xf32, #tpu.memory_space<vmem>>, vector<16xf32>,
    tpu.vector_store %arg7[%swap3A_142], %broadcast_in_dim3A_6 {strides = array<i32>} : memref<2048xf32, #tpu.memory_space<vmem>>, vector<16xf32>,
    %swap3A_144 = arith.constant 1104 : index
    %swap3A_145 = tpu.vector_load %arg7[%swap3A_144] {strides = array<i32>} : memref<2048xf32, #tpu.memory_space<vmem>>, vector<16xf32>,
    tpu.vector_store %arg7[%swap3A_144], %broadcast_in_dim3A_6 {strides = array<i32>} : memref<2048xf32, #tpu.memory_space<vmem>>, vector<16xf32>,
    %swap3A_146 = arith.constant 1120 : index
    %swap3A_147 = tpu.vector_load %arg7[%swap3A_146] {strides = array<i32>} : memref<2048xf32, #tpu.memory_space<vmem>>, vector<16xf32>,
    tpu.vector_store %arg7[%swap3A_146], %broadcast_in_dim3A_6 {strides = array<i32>} : memref<2048xf32, #tpu.memory_space<vmem>>, vector<16xf32>,
    %swap3A_148 = arith.constant 1136 : index
    %swap3A_149 = tpu.vector_load %arg7[%swap3A_148] {strides = array<i32>} : memref<2048xf32, #tpu.memory_space<vmem>>, vector<16xf32>,
    tpu.vector_store %arg7[%swap3A_148], %broadcast_in_dim3A_6 {strides = array<i32>} : memref<2048xf32, #tpu.memory_space<vmem>>, vector<16xf32>,
    %swap3A_150 = arith.constant 1152 : index
    %swap3A_151 = tpu.vector_load %arg7[%swap3A_150] {strides = array<i32>} : memref<2048xf32, #tpu.memory_space<vmem>>, vector<16xf32>,
    tpu.vector_store %arg7[%swap3A_150], %broadcast_in_dim3A_6 {strides = array<i32>} : memref<2048xf32, #tpu.memory_space<vmem>>, vector<16xf32>,
    %swap3A_152 = arith.constant 1168 : index
    %swap3A_153 = tpu.vector_load %arg7[%swap3A_152] {strides = array<i32>} : memref<2048xf32, #tpu.memory_space<vmem>>, vector<16xf32>,
    tpu.vector_store %arg7[%swap3A_152], %broadcast_in_dim3A_6 {strides = array<i32>} : memref<2048xf32, #tpu.memory_space<vmem>>, vector<16xf32>,
    %swap3A_154 = arith.constant 1184 : index
    %swap3A_155 = tpu.vector_load %arg7[%swap3A_154] {strides = array<i32>} : memref<2048xf32, #tpu.memory_space<vmem>>, vector<16xf32>,
    tpu.vector_store %arg7[%swap3A_154], %broadcast_in_dim3A_6 {strides = array<i32>} : memref<2048xf32, #tpu.memory_space<vmem>>, vector<16xf32>,
    %swap3A_156 = arith.constant 1200 : index
    %swap3A_157 = tpu.vector_load %arg7[%swap3A_156] {strides = array<i32>} : memref<2048xf32, #tpu.memory_space<vmem>>, vector<16xf32>,
    tpu.vector_store %arg7[%swap3A_156], %broadcast_in_dim3A_6 {strides = array<i32>} : memref<2048xf32, #tpu.memory_space<vmem>>, vector<16xf32>,
    %swap3A_158 = arith.constant 1216 : index
    %swap3A_159 = tpu.vector_load %arg7[%swap3A_158] {strides = array<i32>} : memref<2048xf32, #tpu.memory_space<vmem>>, vector<16xf32>,
    tpu.vector_store %arg7[%swap3A_158], %broadcast_in_dim3A_6 {strides = array<i32>} : memref<2048xf32, #tpu.memory_space<vmem>>, vector<16xf32>,
    %swap3A_160 = arith.constant 1232 : index
    %swap3A_161 = tpu.vector_load %arg7[%swap3A_160] {strides = array<i32>} : memref<2048xf32, #tpu.memory_space<vmem>>, vector<16xf32>,
    tpu.vector_store %arg7[%swap3A_160], %broadcast_in_dim3A_6 {strides = array<i32>} : memref<2048xf32, #tpu.memory_space<vmem>>, vector<16xf32>,
    %swap3A_162 = arith.constant 1248 : index
    %swap3A_163 = tpu.vector_load %arg7[%swap3A_162] {strides = array<i32>} : memref<2048xf32, #tpu.memory_space<vmem>>, vector<16xf32>,
    tpu.vector_store %arg7[%swap3A_162], %broadcast_in_dim3A_6 {strides = array<i32>} : memref<2048xf32, #tpu.memory_space<vmem>>, vector<16xf32>,
    %swap3A_164 = arith.constant 1264 : index
    %swap3A_165 = tpu.vector_load %arg7[%swap3A_164] {strides = array<i32>} : memref<2048xf32, #tpu.memory_space<vmem>>, vector<16xf32>,
    tpu.vector_store %arg7[%swap3A_164], %broadcast_in_dim3A_6 {strides = array<i32>} : memref<2048xf32, #tpu.memory_space<vmem>>, vector<16xf32>,
    %swap3A_166 = arith.constant 1280 : index
    %swap3A_167 = tpu.vector_load %arg7[%swap3A_166] {strides = array<i32>} : memref<2048xf32, #tpu.memory_space<vmem>>, vector<16xf32>,
    tpu.vector_store %arg7[%swap3A_166], %broadcast_in_dim3A_6 {strides = array<i32>} : memref<2048xf32, #tpu.memory_space<vmem>>, vector<16xf32>,
    %swap3A_168 = arith.constant 1296 : index
    %swap3A_169 = tpu.vector_load %arg7[%swap3A_168] {strides = array<i32>} : memref<2048xf32, #tpu.memory_space<vmem>>, vector<16xf32>,
    tpu.vector_store %arg7[%swap3A_168], %broadcast_in_dim3A_6 {strides = array<i32>} : memref<2048xf32, #tpu.memory_space<vmem>>, vector<16xf32>,
    %swap3A_170 = arith.constant 1312 : index
    %swap3A_171 = tpu.vector_load %arg7[%swap3A_170] {strides = array<i32>} : memref<2048xf32, #tpu.memory_space<vmem>>, vector<16xf32>,
    tpu.vector_store %arg7[%swap3A_170], %broadcast_in_dim3A_6 {strides = array<i32>} : memref<2048xf32, #tpu.memory_space<vmem>>, vector<16xf32>,
    %swap3A_172 = arith.constant 1328 : index
    %swap3A_173 = tpu.vector_load %arg7[%swap3A_172] {strides = array<i32>} : memref<2048xf32, #tpu.memory_space<vmem>>, vector<16xf32>,
    tpu.vector_store %arg7[%swap3A_172], %broadcast_in_dim3A_6 {strides = array<i32>} : memref<2048xf32, #tpu.memory_space<vmem>>, vector<16xf32>,
    %swap3A_174 = arith.constant 1344 : index
    %swap3A_175 = tpu.vector_load %arg7[%swap3A_174] {strides = array<i32>} : memref<2048xf32, #tpu.memory_space<vmem>>, vector<16xf32>,
    tpu.vector_store %arg7[%swap3A_174], %broadcast_in_dim3A_6 {strides = array<i32>} : memref<2048xf32, #tpu.memory_space<vmem>>, vector<16xf32>,
    %swap3A_176 = arith.constant 1360 : index
    %swap3A_177 = tpu.vector_load %arg7[%swap3A_176] {strides = array<i32>} : memref<2048xf32, #tpu.memory_space<vmem>>, vector<16xf32>,
    tpu.vector_store %arg7[%swap3A_176], %broadcast_in_dim3A_6 {strides = array<i32>} : memref<2048xf32, #tpu.memory_space<vmem>>, vector<16xf32>,
    %swap3A_178 = arith.constant 1376 : index
    %swap3A_179 = tpu.vector_load %arg7[%swap3A_178] {strides = array<i32>} : memref<2048xf32, #tpu.memory_space<vmem>>, vector<16xf32>,
    tpu.vector_store %arg7[%swap3A_178], %broadcast_in_dim3A_6 {strides = array<i32>} : memref<2048xf32, #tpu.memory_space<vmem>>, vector<16xf32>,
    %swap3A_180 = arith.constant 1392 : index
    %swap3A_181 = tpu.vector_load %arg7[%swap3A_180] {strides = array<i32>} : memref<2048xf32, #tpu.memory_space<vmem>>, vector<16xf32>,
    tpu.vector_store %arg7[%swap3A_180], %broadcast_in_dim3A_6 {strides = array<i32>} : memref<2048xf32, #tpu.memory_space<vmem>>, vector<16xf32>,
    %swap3A_182 = arith.constant 1408 : index
    %swap3A_183 = tpu.vector_load %arg7[%swap3A_182] {strides = array<i32>} : memref<2048xf32, #tpu.memory_space<vmem>>, vector<16xf32>,
    tpu.vector_store %arg7[%swap3A_182], %broadcast_in_dim3A_6 {strides = array<i32>} : memref<2048xf32, #tpu.memory_space<vmem>>, vector<16xf32>,
    %swap3A_184 = arith.constant 1424 : index
    %swap3A_185 = tpu.vector_load %arg7[%swap3A_184] {strides = array<i32>} : memref<2048xf32, #tpu.memory_space<vmem>>, vector<16xf32>,
    tpu.vector_store %arg7[%swap3A_184], %broadcast_in_dim3A_6 {strides = array<i32>} : memref<2048xf32, #tpu.memory_space<vmem>>, vector<16xf32>,
    %swap3A_186 = arith.constant 1440 : index
    %swap3A_187 = tpu.vector_load %arg7[%swap3A_186] {strides = array<i32>} : memref<2048xf32, #tpu.memory_space<vmem>>, vector<16xf32>,
    tpu.vector_store %arg7[%swap3A_186], %broadcast_in_dim3A_6 {strides = array<i32>} : memref<2048xf32, #tpu.memory_space<vmem>>, vector<16xf32>,
    %swap3A_188 = arith.constant 1456 : index
    %swap3A_189 = tpu.vector_load %arg7[%swap3A_188] {strides = array<i32>} : memref<2048xf32, #tpu.memory_space<vmem>>, vector<16xf32>,
    tpu.vector_store %arg7[%swap3A_188], %broadcast_in_dim3A_6 {strides = array<i32>} : memref<2048xf32, #tpu.memory_space<vmem>>, vector<16xf32>,
    %swap3A_190 = arith.constant 1472 : index
    %swap3A_191 = tpu.vector_load %arg7[%swap3A_190] {strides = array<i32>} : memref<2048xf32, #tpu.memory_space<vmem>>, vector<16xf32>,
    tpu.vector_store %arg7[%swap3A_190], %broadcast_in_dim3A_6 {strides = array<i32>} : memref<2048xf32, #tpu.memory_space<vmem>>, vector<16xf32>,
    %swap3A_192 = arith.constant 1488 : index
    %swap3A_193 = tpu.vector_load %arg7[%swap3A_192] {strides = array<i32>} : memref<2048xf32, #tpu.memory_space<vmem>>, vector<16xf32>,
    tpu.vector_store %arg7[%swap3A_192], %broadcast_in_dim3A_6 {strides = array<i32>} : memref<2048xf32, #tpu.memory_space<vmem>>, vector<16xf32>,
    %swap3A_194 = arith.constant 1504 : index
    %swap3A_195 = tpu.vector_load %arg7[%swap3A_194] {strides = array<i32>} : memref<2048xf32, #tpu.memory_space<vmem>>, vector<16xf32>,
    tpu.vector_store %arg7[%swap3A_194], %broadcast_in_dim3A_6 {strides = array<i32>} : memref<2048xf32, #tpu.memory_space<vmem>>, vector<16xf32>,
    %swap3A_196 = arith.constant 1520 : index
    %swap3A_197 = tpu.vector_load %arg7[%swap3A_196] {strides = array<i32>} : memref<2048xf32, #tpu.memory_space<vmem>>, vector<16xf32>,
    tpu.vector_store %arg7[%swap3A_196], %broadcast_in_dim3A_6 {strides = array<i32>} : memref<2048xf32, #tpu.memory_space<vmem>>, vector<16xf32>,
    %swap3A_198 = arith.constant 1536 : index
    %swap3A_199 = tpu.vector_load %arg7[%swap3A_198] {strides = array<i32>} : memref<2048xf32, #tpu.memory_space<vmem>>, vector<16xf32>,
    tpu.vector_store %arg7[%swap3A_198], %broadcast_in_dim3A_6 {strides = array<i32>} : memref<2048xf32, #tpu.memory_space<vmem>>, vector<16xf32>,
    %swap3A_200 = arith.constant 1552 : index
    %swap3A_201 = tpu.vector_load %arg7[%swap3A_200] {strides = array<i32>} : memref<2048xf32, #tpu.memory_space<vmem>>, vector<16xf32>,
    tpu.vector_store %arg7[%swap3A_200], %broadcast_in_dim3A_6 {strides = array<i32>} : memref<2048xf32, #tpu.memory_space<vmem>>, vector<16xf32>,
    %swap3A_202 = arith.constant 1568 : index
    %swap3A_203 = tpu.vector_load %arg7[%swap3A_202] {strides = array<i32>} : memref<2048xf32, #tpu.memory_space<vmem>>, vector<16xf32>,
    tpu.vector_store %arg7[%swap3A_202], %broadcast_in_dim3A_6 {strides = array<i32>} : memref<2048xf32, #tpu.memory_space<vmem>>, vector<16xf32>,
    %swap3A_204 = arith.constant 1584 : index
    %swap3A_205 = tpu.vector_load %arg7[%swap3A_204] {strides = array<i32>} : memref<2048xf32, #tpu.memory_space<vmem>>, vector<16xf32>,
    tpu.vector_store %arg7[%swap3A_204], %broadcast_in_dim3A_6 {strides = array<i32>} : memref<2048xf32, #tpu.memory_space<vmem>>, vector<16xf32>,
    %swap3A_206 = arith.constant 1600 : index
    %swap3A_207 = tpu.vector_load %arg7[%swap3A_206] {strides = array<i32>} : memref<2048xf32, #tpu.memory_space<vmem>>, vector<16xf32>,
    tpu.vector_store %arg7[%swap3A_206], %broadcast_in_dim3A_6 {strides = array<i32>} : memref<2048xf32, #tpu.memory_space<vmem>>, vector<16xf32>,
    %swap3A_208 = arith.constant 1616 : index
    %swap3A_209 = tpu.vector_load %arg7[%swap3A_208] {strides = array<i32>} : memref<2048xf32, #tpu.memory_space<vmem>>, vector<16xf32>,
    tpu.vector_store %arg7[%swap3A_208], %broadcast_in_dim3A_6 {strides = array<i32>} : memref<2048xf32, #tpu.memory_space<vmem>>, vector<16xf32>,
    %swap3A_210 = arith.constant 1632 : index
    %swap3A_211 = tpu.vector_load %arg7[%swap3A_210] {strides = array<i32>} : memref<2048xf32, #tpu.memory_space<vmem>>, vector<16xf32>,
    tpu.vector_store %arg7[%swap3A_210], %broadcast_in_dim3A_6 {strides = array<i32>} : memref<2048xf32, #tpu.memory_space<vmem>>, vector<16xf32>,
    %swap3A_212 = arith.constant 1648 : index
    %swap3A_213 = tpu.vector_load %arg7[%swap3A_212] {strides = array<i32>} : memref<2048xf32, #tpu.memory_space<vmem>>, vector<16xf32>,
    tpu.vector_store %arg7[%swap3A_212], %broadcast_in_dim3A_6 {strides = array<i32>} : memref<2048xf32, #tpu.memory_space<vmem>>, vector<16xf32>,
    %swap3A_214 = arith.constant 1664 : index
    %swap3A_215 = tpu.vector_load %arg7[%swap3A_214] {strides = array<i32>} : memref<2048xf32, #tpu.memory_space<vmem>>, vector<16xf32>,
    tpu.vector_store %arg7[%swap3A_214], %broadcast_in_dim3A_6 {strides = array<i32>} : memref<2048xf32, #tpu.memory_space<vmem>>, vector<16xf32>,
    %swap3A_216 = arith.constant 1680 : index
    %swap3A_217 = tpu.vector_load %arg7[%swap3A_216] {strides = array<i32>} : memref<2048xf32, #tpu.memory_space<vmem>>, vector<16xf32>,
    tpu.vector_store %arg7[%swap3A_216], %broadcast_in_dim3A_6 {strides = array<i32>} : memref<2048xf32, #tpu.memory_space<vmem>>, vector<16xf32>,
    %swap3A_218 = arith.constant 1696 : index
    %swap3A_219 = tpu.vector_load %arg7[%swap3A_218] {strides = array<i32>} : memref<2048xf32, #tpu.memory_space<vmem>>, vector<16xf32>,
    tpu.vector_store %arg7[%swap3A_218], %broadcast_in_dim3A_6 {strides = array<i32>} : memref<2048xf32, #tpu.memory_space<vmem>>, vector<16xf32>,
    %swap3A_220 = arith.constant 1712 : index
    %swap3A_221 = tpu.vector_load %arg7[%swap3A_220] {strides = array<i32>} : memref<2048xf32, #tpu.memory_space<vmem>>, vector<16xf32>,
    tpu.vector_store %arg7[%swap3A_220], %broadcast_in_dim3A_6 {strides = array<i32>} : memref<2048xf32, #tpu.memory_space<vmem>>, vector<16xf32>,
    %swap3A_222 = arith.constant 1728 : index
    %swap3A_223 = tpu.vector_load %arg7[%swap3A_222] {strides = array<i32>} : memref<2048xf32, #tpu.memory_space<vmem>>, vector<16xf32>,
    tpu.vector_store %arg7[%swap3A_222], %broadcast_in_dim3A_6 {strides = array<i32>} : memref<2048xf32, #tpu.memory_space<vmem>>, vector<16xf32>,
    %swap3A_224 = arith.constant 1744 : index
    %swap3A_225 = tpu.vector_load %arg7[%swap3A_224] {strides = array<i32>} : memref<2048xf32, #tpu.memory_space<vmem>>, vector<16xf32>,
    tpu.vector_store %arg7[%swap3A_224], %broadcast_in_dim3A_6 {strides = array<i32>} : memref<2048xf32, #tpu.memory_space<vmem>>, vector<16xf32>,
    %swap3A_226 = arith.constant 1760 : index
    %swap3A_227 = tpu.vector_load %arg7[%swap3A_226] {strides = array<i32>} : memref<2048xf32, #tpu.memory_space<vmem>>, vector<16xf32>,
    tpu.vector_store %arg7[%swap3A_226], %broadcast_in_dim3A_6 {strides = array<i32>} : memref<2048xf32, #tpu.memory_space<vmem>>, vector<16xf32>,
    %swap3A_228 = arith.constant 1776 : index
    %swap3A_229 = tpu.vector_load %arg7[%swap3A_228] {strides = array<i32>} : memref<2048xf32, #tpu.memory_space<vmem>>, vector<16xf32>,
    tpu.vector_store %arg7[%swap3A_228], %broadcast_in_dim3A_6 {strides = array<i32>} : memref<2048xf32, #tpu.memory_space<vmem>>, vector<16xf32>,
    %swap3A_230 = arith.constant 1792 : index
    %swap3A_231 = tpu.vector_load %arg7[%swap3A_230] {strides = array<i32>} : memref<2048xf32, #tpu.memory_space<vmem>>, vector<16xf32>,
    tpu.vector_store %arg7[%swap3A_230], %broadcast_in_dim3A_6 {strides = array<i32>} : memref<2048xf32, #tpu.memory_space<vmem>>, vector<16xf32>,
    %swap3A_232 = arith.constant 1808 : index
    %swap3A_233 = tpu.vector_load %arg7[%swap3A_232] {strides = array<i32>} : memref<2048xf32, #tpu.memory_space<vmem>>, vector<16xf32>,
    tpu.vector_store %arg7[%swap3A_232], %broadcast_in_dim3A_6 {strides = array<i32>} : memref<2048xf32, #tpu.memory_space<vmem>>, vector<16xf32>,
    %swap3A_234 = arith.constant 1824 : index
    %swap3A_235 = tpu.vector_load %arg7[%swap3A_234] {strides = array<i32>} : memref<2048xf32, #tpu.memory_space<vmem>>, vector<16xf32>,
    tpu.vector_store %arg7[%swap3A_234], %broadcast_in_dim3A_6 {strides = array<i32>} : memref<2048xf32, #tpu.memory_space<vmem>>, vector<16xf32>,
    %swap3A_236 = arith.constant 1840 : index
    %swap3A_237 = tpu.vector_load %arg7[%swap3A_236] {strides = array<i32>} : memref<2048xf32, #tpu.memory_space<vmem>>, vector<16xf32>,
    tpu.vector_store %arg7[%swap3A_236], %broadcast_in_dim3A_6 {strides = array<i32>} : memref<2048xf32, #tpu.memory_space<vmem>>, vector<16xf32>,
    %swap3A_238 = arith.constant 1856 : index
    %swap3A_239 = tpu.vector_load %arg7[%swap3A_238] {strides = array<i32>} : memref<2048xf32, #tpu.memory_space<vmem>>, vector<16xf32>,
    tpu.vector_store %arg7[%swap3A_238], %broadcast_in_dim3A_6 {strides = array<i32>} : memref<2048xf32, #tpu.memory_space<vmem>>, vector<16xf32>,
    %swap3A_240 = arith.constant 1872 : index
    %swap3A_241 = tpu.vector_load %arg7[%swap3A_240] {strides = array<i32>} : memref<2048xf32, #tpu.memory_space<vmem>>, vector<16xf32>,
    tpu.vector_store %arg7[%swap3A_240], %broadcast_in_dim3A_6 {strides = array<i32>} : memref<2048xf32, #tpu.memory_space<vmem>>, vector<16xf32>,
    %swap3A_242 = arith.constant 1888 : index
    %swap3A_243 = tpu.vector_load %arg7[%swap3A_242] {strides = array<i32>} : memref<2048xf32, #tpu.memory_space<vmem>>, vector<16xf32>,
    tpu.vector_store %arg7[%swap3A_242], %broadcast_in_dim3A_6 {strides = array<i32>} : memref<2048xf32, #tpu.memory_space<vmem>>, vector<16xf32>,
    %swap3A_244 = arith.constant 1904 : index
    %swap3A_245 = tpu.vector_load %arg7[%swap3A_244] {strides = array<i32>} : memref<2048xf32, #tpu.memory_space<vmem>>, vector<16xf32>,
    tpu.vector_store %arg7[%swap3A_244], %broadcast_in_dim3A_6 {strides = array<i32>} : memref<2048xf32, #tpu.memory_space<vmem>>, vector<16xf32>,
    %swap3A_246 = arith.constant 1920 : index
    %swap3A_247 = tpu.vector_load %arg7[%swap3A_246] {strides = array<i32>} : memref<2048xf32, #tpu.memory_space<vmem>>, vector<16xf32>,
    tpu.vector_store %arg7[%swap3A_246], %broadcast_in_dim3A_6 {strides = array<i32>} : memref<2048xf32, #tpu.memory_space<vmem>>, vector<16xf32>,
    %swap3A_248 = arith.constant 1936 : index
    %swap3A_249 = tpu.vector_load %arg7[%swap3A_248] {strides = array<i32>} : memref<2048xf32, #tpu.memory_space<vmem>>, vector<16xf32>,
    tpu.vector_store %arg7[%swap3A_248], %broadcast_in_dim3A_6 {strides = array<i32>} : memref<2048xf32, #tpu.memory_space<vmem>>, vector<16xf32>,
    %swap3A_250 = arith.constant 1952 : index
    %swap3A_251 = tpu.vector_load %arg7[%swap3A_250] {strides = array<i32>} : memref<2048xf32, #tpu.memory_space<vmem>>, vector<16xf32>,
    tpu.vector_store %arg7[%swap3A_250], %broadcast_in_dim3A_6 {strides = array<i32>} : memref<2048xf32, #tpu.memory_space<vmem>>, vector<16xf32>,
    %swap3A_252 = arith.constant 1968 : index
    %swap3A_253 = tpu.vector_load %arg7[%swap3A_252] {strides = array<i32>} : memref<2048xf32, #tpu.memory_space<vmem>>, vector<16xf32>,
    tpu.vector_store %arg7[%swap3A_252], %broadcast_in_dim3A_6 {strides = array<i32>} : memref<2048xf32, #tpu.memory_space<vmem>>, vector<16xf32>,
    %swap3A_254 = arith.constant 1984 : index
    %swap3A_255 = tpu.vector_load %arg7[%swap3A_254] {strides = array<i32>} : memref<2048xf32, #tpu.memory_space<vmem>>, vector<16xf32>,
    tpu.vector_store %arg7[%swap3A_254], %broadcast_in_dim3A_6 {strides = array<i32>} : memref<2048xf32, #tpu.memory_space<vmem>>, vector<16xf32>,
    %swap3A_256 = arith.constant 2000 : index
    %swap3A_257 = tpu.vector_load %arg7[%swap3A_256] {strides = array<i32>} : memref<2048xf32, #tpu.memory_space<vmem>>, vector<16xf32>,
    tpu.vector_store %arg7[%swap3A_256], %broadcast_in_dim3A_6 {strides = array<i32>} : memref<2048xf32, #tpu.memory_space<vmem>>, vector<16xf32>,
    %swap3A_258 = arith.constant 2016 : index
    %swap3A_259 = tpu.vector_load %arg7[%swap3A_258] {strides = array<i32>} : memref<2048xf32, #tpu.memory_space<vmem>>, vector<16xf32>,
    tpu.vector_store %arg7[%swap3A_258], %broadcast_in_dim3A_6 {strides = array<i32>} : memref<2048xf32, #tpu.memory_space<vmem>>, vector<16xf32>,
    %swap3A_260 = arith.constant 2032 : index
    %swap3A_261 = tpu.vector_load %arg7[%swap3A_260] {strides = array<i32>} : memref<2048xf32, #tpu.memory_space<vmem>>, vector<16xf32>,
    tpu.vector_store %arg7[%swap3A_260], %broadcast_in_dim3A_6 {strides = array<i32>} : memref<2048xf32, #tpu.memory_space<vmem>>, vector<16xf32>,
    %scan3A = arith.constant 0 : i32
    %scan3A_262 = arith.constant 0 : i32
    %scan3A_263 = arith.constant 64 : i32
    %scan3A_264 = arith.addi %scan3A_262, %scan3A_263 : i32
    %scan3A_265 = arith.constant 1 : i32
    scf.for %scan3A_660 = %scan3A_262 to %scan3A_264 step %scan3A_265  : i32 {
      %mul3A_661 = arith.constant 16 : i32
      %mul3A_662 = arith.muli %scan3A_660, %mul3A_661 : i32
      %get3A_663 = arith.index_cast %mul3A_662 : i32 to index
      %get3A_664 = tpu.vector_load %arg6[%get3A_663] {strides = array<i32>} : memref<1024xi32, #tpu.memory_space<vmem>>, vector<16xi32>,
      %mul3A_665 = arith.constant 8 : i32
      %mul3A_666 = vector.broadcast %mul3A_665 : i32 to vector<16xi32>
      %mul3A_667 = arith.muli %get3A_664, %mul3A_666 : vector<16xi32>
      %add3A_668 = arith.addi %mul3A_5, %mul3A_667 : vector<16xi32>
      %add3A_669 = arith.constant 0 : i32
      %add3A_670 = vector.broadcast %add3A_669 : i32 to vector<16xi32>
      %add3A_671 = arith.addi %add3A_668, %add3A_670 : vector<16xi32>
      %mul3A_672 = arith.constant 16 : i32
      %mul3A_673 = arith.muli %scan3A_660, %mul3A_672 : i32
      %get3A_674 = arith.constant 0 : i32
      %get3A_675 = arith.index_cast %get3A_674 : i32 to index
      %get3A_676 = arith.index_cast %mul3A_673 : i32 to index
      %get3A_677 = tpu.vector_load %arg5[%get3A_675, %get3A_676] {strides = array<i32>} : memref<8x1024xf32, #tpu.memory_space<vmem>>, vector<16xf32>,
      tpu.vector_store_idx %arg7[%add3A_671], %get3A_677 {add = true} : memref<2048xf32, #tpu.memory_space<vmem>>[vector<16xi32>], vector<16xf32>,
      %add3A_678 = arith.constant 1 : i32
      %add3A_679 = vector.broadcast %add3A_678 : i32 to vector<16xi32>
      %add3A_680 = arith.addi %add3A_668, %add3A_679 : vector<16xi32>
      %mul3A_681 = arith.constant 16 : i32
      %mul3A_682 = arith.muli %scan3A_660, %mul3A_681 : i32
      %get3A_683 = arith.constant 1 : i32
      %get3A_684 = arith.index_cast %get3A_683 : i32 to index
      %get3A_685 = arith.index_cast %mul3A_682 : i32 to index
      %get3A_686 = tpu.vector_load %arg5[%get3A_684, %get3A_685] {strides = array<i32>} : memref<8x1024xf32, #tpu.memory_space<vmem>>, vector<16xf32>,
      tpu.vector_store_idx %arg7[%add3A_680], %get3A_686 {add = true} : memref<2048xf32, #tpu.memory_space<vmem>>[vector<16xi32>], vector<16xf32>,
      %add3A_687 = arith.constant 2 : i32
      %add3A_688 = vector.broadcast %add3A_687 : i32 to vector<16xi32>
      %add3A_689 = arith.addi %add3A_668, %add3A_688 : vector<16xi32>
      %mul3A_690 = arith.constant 16 : i32
      %mul3A_691 = arith.muli %scan3A_660, %mul3A_690 : i32
      %get3A_692 = arith.constant 2 : i32
      %get3A_693 = arith.index_cast %get3A_692 : i32 to index
      %get3A_694 = arith.index_cast %mul3A_691 : i32 to index
      %get3A_695 = tpu.vector_load %arg5[%get3A_693, %get3A_694] {strides = array<i32>} : memref<8x1024xf32, #tpu.memory_space<vmem>>, vector<16xf32>,
      tpu.vector_store_idx %arg7[%add3A_689], %get3A_695 {add = true} : memref<2048xf32, #tpu.memory_space<vmem>>[vector<16xi32>], vector<16xf32>,
      %add3A_696 = arith.constant 3 : i32
      %add3A_697 = vector.broadcast %add3A_696 : i32 to vector<16xi32>
      %add3A_698 = arith.addi %add3A_668, %add3A_697 : vector<16xi32>
      %mul3A_699 = arith.constant 16 : i32
      %mul3A_700 = arith.muli %scan3A_660, %mul3A_699 : i32
      %get3A_701 = arith.constant 3 : i32
      %get3A_702 = arith.index_cast %get3A_701 : i32 to index
      %get3A_703 = arith.index_cast %mul3A_700 : i32 to index
      %get3A_704 = tpu.vector_load %arg5[%get3A_702, %get3A_703] {strides = array<i32>} : memref<8x1024xf32, #tpu.memory_space<vmem>>, vector<16xf32>,
      tpu.vector_store_idx %arg7[%add3A_698], %get3A_704 {add = true} : memref<2048xf32, #tpu.memory_space<vmem>>[vector<16xi32>], vector<16xf32>,
      %add3A_705 = arith.constant 4 : i32
      %add3A_706 = vector.broadcast %add3A_705 : i32 to vector<16xi32>
      %add3A_707 = arith.addi %add3A_668, %add3A_706 : vector<16xi32>
      %mul3A_708 = arith.constant 16 : i32
      %mul3A_709 = arith.muli %scan3A_660, %mul3A_708 : i32
      %get3A_710 = arith.constant 4 : i32
      %get3A_711 = arith.index_cast %get3A_710 : i32 to index
      %get3A_712 = arith.index_cast %mul3A_709 : i32 to index
      %get3A_713 = tpu.vector_load %arg5[%get3A_711, %get3A_712] {strides = array<i32>} : memref<8x1024xf32, #tpu.memory_space<vmem>>, vector<16xf32>,
      tpu.vector_store_idx %arg7[%add3A_707], %get3A_713 {add = true} : memref<2048xf32, #tpu.memory_space<vmem>>[vector<16xi32>], vector<16xf32>,
      %add3A_714 = arith.constant 5 : i32
      %add3A_715 = vector.broadcast %add3A_714 : i32 to vector<16xi32>
      %add3A_716 = arith.addi %add3A_668, %add3A_715 : vector<16xi32>
      %mul3A_717 = arith.constant 16 : i32
      %mul3A_718 = arith.muli %scan3A_660, %mul3A_717 : i32
      %get3A_719 = arith.constant 5 : i32
      %get3A_720 = arith.index_cast %get3A_719 : i32 to index
      %get3A_721 = arith.index_cast %mul3A_718 : i32 to index
      %get3A_722 = tpu.vector_load %arg5[%get3A_720, %get3A_721] {strides = array<i32>} : memref<8x1024xf32, #tpu.memory_space<vmem>>, vector<16xf32>,
      tpu.vector_store_idx %arg7[%add3A_716], %get3A_722 {add = true} : memref<2048xf32, #tpu.memory_space<vmem>>[vector<16xi32>], vector<16xf32>,
      %add3A_723 = arith.constant 6 : i32
      %add3A_724 = vector.broadcast %add3A_723 : i32 to vector<16xi32>
      %add3A_725 = arith.addi %add3A_668, %add3A_724 : vector<16xi32>
      %mul3A_726 = arith.constant 16 : i32
      %mul3A_727 = arith.muli %scan3A_660, %mul3A_726 : i32
      %get3A_728 = arith.constant 6 : i32
      %get3A_729 = arith.index_cast %get3A_728 : i32 to index
      %get3A_730 = arith.index_cast %mul3A_727 : i32 to index
      %get3A_731 = tpu.vector_load %arg5[%get3A_729, %get3A_730] {strides = array<i32>} : memref<8x1024xf32, #tpu.memory_space<vmem>>, vector<16xf32>,
      tpu.vector_store_idx %arg7[%add3A_725], %get3A_731 {add = true} : memref<2048xf32, #tpu.memory_space<vmem>>[vector<16xi32>], vector<16xf32>,
      %add3A_732 = arith.constant 7 : i32
      %add3A_733 = vector.broadcast %add3A_732 : i32 to vector<16xi32>
      %add3A_734 = arith.addi %add3A_668, %add3A_733 : vector<16xi32>
      %mul3A_735 = arith.constant 16 : i32
      %mul3A_736 = arith.muli %scan3A_660, %mul3A_735 : i32
      %get3A_737 = arith.constant 7 : i32
      %get3A_738 = arith.index_cast %get3A_737 : i32 to index
      %get3A_739 = arith.index_cast %mul3A_736 : i32 to index
      %get3A_740 = tpu.vector_load %arg5[%get3A_738, %get3A_739] {strides = array<i32>} : memref<8x1024xf32, #tpu.memory_space<vmem>>, vector<16xf32>,
      tpu.vector_store_idx %arg7[%add3A_734], %get3A_740 {add = true} : memref<2048xf32, #tpu.memory_space<vmem>>[vector<16xi32>], vector<16xf32>,
    }
    %scan3A_266 = arith.constant 64 : i32
    %get3A = arith.constant 0 : index
    %get3A_267 = tpu.vector_load %arg7[%get3A] {strides = array<i32>} : memref<2048xf32, #tpu.memory_space<vmem>>, vector<16xf32>,
    %get3A_268 = arith.constant 128 : index
    %get3A_269 = tpu.vector_load %arg7[%get3A_268] {strides = array<i32>} : memref<2048xf32, #tpu.memory_space<vmem>>, vector<16xf32>,
    %add3A_270 = arith.addf %get3A_267, %get3A_269 : vector<16xf32>
    %get3A_271 = arith.constant 256 : index
    %get3A_272 = tpu.vector_load %arg7[%get3A_271] {strides = array<i32>} : memref<2048xf32, #tpu.memory_space<vmem>>, vector<16xf32>,
    %add3A_273 = arith.addf %add3A_270, %get3A_272 : vector<16xf32>
    %get3A_274 = arith.constant 384 : index
    %get3A_275 = tpu.vector_load %arg7[%get3A_274] {strides = array<i32>} : memref<2048xf32, #tpu.memory_space<vmem>>, vector<16xf32>,
    %add3A_276 = arith.addf %add3A_273, %get3A_275 : vector<16xf32>
    %get3A_277 = arith.constant 512 : index
    %get3A_278 = tpu.vector_load %arg7[%get3A_277] {strides = array<i32>} : memref<2048xf32, #tpu.memory_space<vmem>>, vector<16xf32>,
    %add3A_279 = arith.addf %add3A_276, %get3A_278 : vector<16xf32>
    %get3A_280 = arith.constant 640 : index
    %get3A_281 = tpu.vector_load %arg7[%get3A_280] {strides = array<i32>} : memref<2048xf32, #tpu.memory_space<vmem>>, vector<16xf32>,
    %add3A_282 = arith.addf %add3A_279, %get3A_281 : vector<16xf32>
    %get3A_283 = arith.constant 768 : index
    %get3A_284 = tpu.vector_load %arg7[%get3A_283] {strides = array<i32>} : memref<2048xf32, #tpu.memory_space<vmem>>, vector<16xf32>,
    %add3A_285 = arith.addf %add3A_282, %get3A_284 : vector<16xf32>
    %get3A_286 = arith.constant 896 : index
    %get3A_287 = tpu.vector_load %arg7[%get3A_286] {strides = array<i32>} : memref<2048xf32, #tpu.memory_space<vmem>>, vector<16xf32>,
    %add3A_288 = arith.addf %add3A_285, %get3A_287 : vector<16xf32>
    %get3A_289 = arith.constant 1024 : index
    %get3A_290 = tpu.vector_load %arg7[%get3A_289] {strides = array<i32>} : memref<2048xf32, #tpu.memory_space<vmem>>, vector<16xf32>,
    %add3A_291 = arith.addf %add3A_288, %get3A_290 : vector<16xf32>
    %get3A_292 = arith.constant 1152 : index
    %get3A_293 = tpu.vector_load %arg7[%get3A_292] {strides = array<i32>} : memref<2048xf32, #tpu.memory_space<vmem>>, vector<16xf32>,
    %add3A_294 = arith.addf %add3A_291, %get3A_293 : vector<16xf32>
    %get3A_295 = arith.constant 1280 : index
    %get3A_296 = tpu.vector_load %arg7[%get3A_295] {strides = array<i32>} : memref<2048xf32, #tpu.memory_space<vmem>>, vector<16xf32>,
    %add3A_297 = arith.addf %add3A_294, %get3A_296 : vector<16xf32>
    %get3A_298 = arith.constant 1408 : index
    %get3A_299 = tpu.vector_load %arg7[%get3A_298] {strides = array<i32>} : memref<2048xf32, #tpu.memory_space<vmem>>, vector<16xf32>,
    %add3A_300 = arith.addf %add3A_297, %get3A_299 : vector<16xf32>
    %get3A_301 = arith.constant 1536 : index
    %get3A_302 = tpu.vector_load %arg7[%get3A_301] {strides = array<i32>} : memref<2048xf32, #tpu.memory_space<vmem>>, vector<16xf32>,
    %add3A_303 = arith.addf %add3A_300, %get3A_302 : vector<16xf32>
    %get3A_304 = arith.constant 1664 : index
    %get3A_305 = tpu.vector_load %arg7[%get3A_304] {strides = array<i32>} : memref<2048xf32, #tpu.memory_space<vmem>>, vector<16xf32>,
    %add3A_306 = arith.addf %add3A_303, %get3A_305 : vector<16xf32>
    %get3A_307 = arith.constant 1792 : index
    %get3A_308 = tpu.vector_load %arg7[%get3A_307] {strides = array<i32>} : memref<2048xf32, #tpu.memory_space<vmem>>, vector<16xf32>,
    %add3A_309 = arith.addf %add3A_306, %get3A_308 : vector<16xf32>
    %get3A_310 = arith.constant 1920 : index
    %get3A_311 = tpu.vector_load %arg7[%get3A_310] {strides = array<i32>} : memref<2048xf32, #tpu.memory_space<vmem>>, vector<16xf32>,
    %add3A_312 = arith.addf %add3A_309, %get3A_311 : vector<16xf32>
    %swap3A_313 = arith.constant 0 : index
    %swap3A_314 = tpu.vector_load %arg7[%swap3A_313] {strides = array<i32>} : memref<2048xf32, #tpu.memory_space<vmem>>, vector<16xf32>,
    tpu.vector_store %arg7[%swap3A_313], %add3A_312 {strides = array<i32>} : memref<2048xf32, #tpu.memory_space<vmem>>, vector<16xf32>,
    %get3A_315 = arith.constant 16 : index
    %get3A_316 = tpu.vector_load %arg7[%get3A_315] {strides = array<i32>} : memref<2048xf32, #tpu.memory_space<vmem>>, vector<16xf32>,
    %get3A_317 = arith.constant 144 : index
    %get3A_318 = tpu.vector_load %arg7[%get3A_317] {strides = array<i32>} : memref<2048xf32, #tpu.memory_space<vmem>>, vector<16xf32>,
    %add3A_319 = arith.addf %get3A_316, %get3A_318 : vector<16xf32>
    %get3A_320 = arith.constant 272 : index
    %get3A_321 = tpu.vector_load %arg7[%get3A_320] {strides = array<i32>} : memref<2048xf32, #tpu.memory_space<vmem>>, vector<16xf32>,
    %add3A_322 = arith.addf %add3A_319, %get3A_321 : vector<16xf32>
    %get3A_323 = arith.constant 400 : index
    %get3A_324 = tpu.vector_load %arg7[%get3A_323] {strides = array<i32>} : memref<2048xf32, #tpu.memory_space<vmem>>, vector<16xf32>,
    %add3A_325 = arith.addf %add3A_322, %get3A_324 : vector<16xf32>
    %get3A_326 = arith.constant 528 : index
    %get3A_327 = tpu.vector_load %arg7[%get3A_326] {strides = array<i32>} : memref<2048xf32, #tpu.memory_space<vmem>>, vector<16xf32>,
    %add3A_328 = arith.addf %add3A_325, %get3A_327 : vector<16xf32>
    %get3A_329 = arith.constant 656 : index
    %get3A_330 = tpu.vector_load %arg7[%get3A_329] {strides = array<i32>} : memref<2048xf32, #tpu.memory_space<vmem>>, vector<16xf32>,
    %add3A_331 = arith.addf %add3A_328, %get3A_330 : vector<16xf32>
    %get3A_332 = arith.constant 784 : index
    %get3A_333 = tpu.vector_load %arg7[%get3A_332] {strides = array<i32>} : memref<2048xf32, #tpu.memory_space<vmem>>, vector<16xf32>,
    %add3A_334 = arith.addf %add3A_331, %get3A_333 : vector<16xf32>
    %get3A_335 = arith.constant 912 : index
    %get3A_336 = tpu.vector_load %arg7[%get3A_335] {strides = array<i32>} : memref<2048xf32, #tpu.memory_space<vmem>>, vector<16xf32>,
    %add3A_337 = arith.addf %add3A_334, %get3A_336 : vector<16xf32>
    %get3A_338 = arith.constant 1040 : index
    %get3A_339 = tpu.vector_load %arg7[%get3A_338] {strides = array<i32>} : memref<2048xf32, #tpu.memory_space<vmem>>, vector<16xf32>,
    %add3A_340 = arith.addf %add3A_337, %get3A_339 : vector<16xf32>
    %get3A_341 = arith.constant 1168 : index
    %get3A_342 = tpu.vector_load %arg7[%get3A_341] {strides = array<i32>} : memref<2048xf32, #tpu.memory_space<vmem>>, vector<16xf32>,
    %add3A_343 = arith.addf %add3A_340, %get3A_342 : vector<16xf32>
    %get3A_344 = arith.constant 1296 : index
    %get3A_345 = tpu.vector_load %arg7[%get3A_344] {strides = array<i32>} : memref<2048xf32, #tpu.memory_space<vmem>>, vector<16xf32>,
    %add3A_346 = arith.addf %add3A_343, %get3A_345 : vector<16xf32>
    %get3A_347 = arith.constant 1424 : index
    %get3A_348 = tpu.vector_load %arg7[%get3A_347] {strides = array<i32>} : memref<2048xf32, #tpu.memory_space<vmem>>, vector<16xf32>,
    %add3A_349 = arith.addf %add3A_346, %get3A_348 : vector<16xf32>
    %get3A_350 = arith.constant 1552 : index
    %get3A_351 = tpu.vector_load %arg7[%get3A_350] {strides = array<i32>} : memref<2048xf32, #tpu.memory_space<vmem>>, vector<16xf32>,
    %add3A_352 = arith.addf %add3A_349, %get3A_351 : vector<16xf32>
    %get3A_353 = arith.constant 1680 : index
    %get3A_354 = tpu.vector_load %arg7[%get3A_353] {strides = array<i32>} : memref<2048xf32, #tpu.memory_space<vmem>>, vector<16xf32>,
    %add3A_355 = arith.addf %add3A_352, %get3A_354 : vector<16xf32>
    %get3A_356 = arith.constant 1808 : index
    %get3A_357 = tpu.vector_load %arg7[%get3A_356] {strides = array<i32>} : memref<2048xf32, #tpu.memory_space<vmem>>, vector<16xf32>,
    %add3A_358 = arith.addf %add3A_355, %get3A_357 : vector<16xf32>
    %get3A_359 = arith.constant 1936 : index
    %get3A_360 = tpu.vector_load %arg7[%get3A_359] {strides = array<i32>} : memref<2048xf32, #tpu.memory_space<vmem>>, vector<16xf32>,
    %add3A_361 = arith.addf %add3A_358, %get3A_360 : vector<16xf32>
    %swap3A_362 = arith.constant 16 : index
    %swap3A_363 = tpu.vector_load %arg7[%swap3A_362] {strides = array<i32>} : memref<2048xf32, #tpu.memory_space<vmem>>, vector<16xf32>,
    tpu.vector_store %arg7[%swap3A_362], %add3A_361 {strides = array<i32>} : memref<2048xf32, #tpu.memory_space<vmem>>, vector<16xf32>,
    %get3A_364 = arith.constant 32 : index
    %get3A_365 = tpu.vector_load %arg7[%get3A_364] {strides = array<i32>} : memref<2048xf32, #tpu.memory_space<vmem>>, vector<16xf32>,
    %get3A_366 = arith.constant 160 : index
    %get3A_367 = tpu.vector_load %arg7[%get3A_366] {strides = array<i32>} : memref<2048xf32, #tpu.memory_space<vmem>>, vector<16xf32>,
    %add3A_368 = arith.addf %get3A_365, %get3A_367 : vector<16xf32>
    %get3A_369 = arith.constant 288 : index
    %get3A_370 = tpu.vector_load %arg7[%get3A_369] {strides = array<i32>} : memref<2048xf32, #tpu.memory_space<vmem>>, vector<16xf32>,
    %add3A_371 = arith.addf %add3A_368, %get3A_370 : vector<16xf32>
    %get3A_372 = arith.constant 416 : index
    %get3A_373 = tpu.vector_load %arg7[%get3A_372] {strides = array<i32>} : memref<2048xf32, #tpu.memory_space<vmem>>, vector<16xf32>,
    %add3A_374 = arith.addf %add3A_371, %get3A_373 : vector<16xf32>
    %get3A_375 = arith.constant 544 : index
    %get3A_376 = tpu.vector_load %arg7[%get3A_375] {strides = array<i32>} : memref<2048xf32, #tpu.memory_space<vmem>>, vector<16xf32>,
    %add3A_377 = arith.addf %add3A_374, %get3A_376 : vector<16xf32>
    %get3A_378 = arith.constant 672 : index
    %get3A_379 = tpu.vector_load %arg7[%get3A_378] {strides = array<i32>} : memref<2048xf32, #tpu.memory_space<vmem>>, vector<16xf32>,
    %add3A_380 = arith.addf %add3A_377, %get3A_379 : vector<16xf32>
    %get3A_381 = arith.constant 800 : index
    %get3A_382 = tpu.vector_load %arg7[%get3A_381] {strides = array<i32>} : memref<2048xf32, #tpu.memory_space<vmem>>, vector<16xf32>,
    %add3A_383 = arith.addf %add3A_380, %get3A_382 : vector<16xf32>
    %get3A_384 = arith.constant 928 : index
    %get3A_385 = tpu.vector_load %arg7[%get3A_384] {strides = array<i32>} : memref<2048xf32, #tpu.memory_space<vmem>>, vector<16xf32>,
    %add3A_386 = arith.addf %add3A_383, %get3A_385 : vector<16xf32>
    %get3A_387 = arith.constant 1056 : index
    %get3A_388 = tpu.vector_load %arg7[%get3A_387] {strides = array<i32>} : memref<2048xf32, #tpu.memory_space<vmem>>, vector<16xf32>,
    %add3A_389 = arith.addf %add3A_386, %get3A_388 : vector<16xf32>
    %get3A_390 = arith.constant 1184 : index
    %get3A_391 = tpu.vector_load %arg7[%get3A_390] {strides = array<i32>} : memref<2048xf32, #tpu.memory_space<vmem>>, vector<16xf32>,
    %add3A_392 = arith.addf %add3A_389, %get3A_391 : vector<16xf32>
    %get3A_393 = arith.constant 1312 : index
    %get3A_394 = tpu.vector_load %arg7[%get3A_393] {strides = array<i32>} : memref<2048xf32, #tpu.memory_space<vmem>>, vector<16xf32>,
    %add3A_395 = arith.addf %add3A_392, %get3A_394 : vector<16xf32>
    %get3A_396 = arith.constant 1440 : index
    %get3A_397 = tpu.vector_load %arg7[%get3A_396] {strides = array<i32>} : memref<2048xf32, #tpu.memory_space<vmem>>, vector<16xf32>,
    %add3A_398 = arith.addf %add3A_395, %get3A_397 : vector<16xf32>
    %get3A_399 = arith.constant 1568 : index
    %get3A_400 = tpu.vector_load %arg7[%get3A_399] {strides = array<i32>} : memref<2048xf32, #tpu.memory_space<vmem>>, vector<16xf32>,
    %add3A_401 = arith.addf %add3A_398, %get3A_400 : vector<16xf32>
    %get3A_402 = arith.constant 1696 : index
    %get3A_403 = tpu.vector_load %arg7[%get3A_402] {strides = array<i32>} : memref<2048xf32, #tpu.memory_space<vmem>>, vector<16xf32>,
    %add3A_404 = arith.addf %add3A_401, %get3A_403 : vector<16xf32>
    %get3A_405 = arith.constant 1824 : index
    %get3A_406 = tpu.vector_load %arg7[%get3A_405] {strides = array<i32>} : memref<2048xf32, #tpu.memory_space<vmem>>, vector<16xf32>,
    %add3A_407 = arith.addf %add3A_404, %get3A_406 : vector<16xf32>
    %get3A_408 = arith.constant 1952 : index
    %get3A_409 = tpu.vector_load %arg7[%get3A_408] {strides = array<i32>} : memref<2048xf32, #tpu.memory_space<vmem>>, vector<16xf32>,
    %add3A_410 = arith.addf %add3A_407, %get3A_409 : vector<16xf32>
    %swap3A_411 = arith.constant 32 : index
    %swap3A_412 = tpu.vector_load %arg7[%swap3A_411] {strides = array<i32>} : memref<2048xf32, #tpu.memory_space<vmem>>, vector<16xf32>,
    tpu.vector_store %arg7[%swap3A_411], %add3A_410 {strides = array<i32>} : memref<2048xf32, #tpu.memory_space<vmem>>, vector<16xf32>,
    %get3A_413 = arith.constant 48 : index
    %get3A_414 = tpu.vector_load %arg7[%get3A_413] {strides = array<i32>} : memref<2048xf32, #tpu.memory_space<vmem>>, vector<16xf32>,
    %get3A_415 = arith.constant 176 : index
    %get3A_416 = tpu.vector_load %arg7[%get3A_415] {strides = array<i32>} : memref<2048xf32, #tpu.memory_space<vmem>>, vector<16xf32>,
    %add3A_417 = arith.addf %get3A_414, %get3A_416 : vector<16xf32>
    %get3A_418 = arith.constant 304 : index
    %get3A_419 = tpu.vector_load %arg7[%get3A_418] {strides = array<i32>} : memref<2048xf32, #tpu.memory_space<vmem>>, vector<16xf32>,
    %add3A_420 = arith.addf %add3A_417, %get3A_419 : vector<16xf32>
    %get3A_421 = arith.constant 432 : index
    %get3A_422 = tpu.vector_load %arg7[%get3A_421] {strides = array<i32>} : memref<2048xf32, #tpu.memory_space<vmem>>, vector<16xf32>,
    %add3A_423 = arith.addf %add3A_420, %get3A_422 : vector<16xf32>
    %get3A_424 = arith.constant 560 : index
    %get3A_425 = tpu.vector_load %arg7[%get3A_424] {strides = array<i32>} : memref<2048xf32, #tpu.memory_space<vmem>>, vector<16xf32>,
    %add3A_426 = arith.addf %add3A_423, %get3A_425 : vector<16xf32>
    %get3A_427 = arith.constant 688 : index
    %get3A_428 = tpu.vector_load %arg7[%get3A_427] {strides = array<i32>} : memref<2048xf32, #tpu.memory_space<vmem>>, vector<16xf32>,
    %add3A_429 = arith.addf %add3A_426, %get3A_428 : vector<16xf32>
    %get3A_430 = arith.constant 816 : index
    %get3A_431 = tpu.vector_load %arg7[%get3A_430] {strides = array<i32>} : memref<2048xf32, #tpu.memory_space<vmem>>, vector<16xf32>,
    %add3A_432 = arith.addf %add3A_429, %get3A_431 : vector<16xf32>
    %get3A_433 = arith.constant 944 : index
    %get3A_434 = tpu.vector_load %arg7[%get3A_433] {strides = array<i32>} : memref<2048xf32, #tpu.memory_space<vmem>>, vector<16xf32>,
    %add3A_435 = arith.addf %add3A_432, %get3A_434 : vector<16xf32>
    %get3A_436 = arith.constant 1072 : index
    %get3A_437 = tpu.vector_load %arg7[%get3A_436] {strides = array<i32>} : memref<2048xf32, #tpu.memory_space<vmem>>, vector<16xf32>,
    %add3A_438 = arith.addf %add3A_435, %get3A_437 : vector<16xf32>
    %get3A_439 = arith.constant 1200 : index
    %get3A_440 = tpu.vector_load %arg7[%get3A_439] {strides = array<i32>} : memref<2048xf32, #tpu.memory_space<vmem>>, vector<16xf32>,
    %add3A_441 = arith.addf %add3A_438, %get3A_440 : vector<16xf32>
    %get3A_442 = arith.constant 1328 : index
    %get3A_443 = tpu.vector_load %arg7[%get3A_442] {strides = array<i32>} : memref<2048xf32, #tpu.memory_space<vmem>>, vector<16xf32>,
    %add3A_444 = arith.addf %add3A_441, %get3A_443 : vector<16xf32>
    %get3A_445 = arith.constant 1456 : index
    %get3A_446 = tpu.vector_load %arg7[%get3A_445] {strides = array<i32>} : memref<2048xf32, #tpu.memory_space<vmem>>, vector<16xf32>,
    %add3A_447 = arith.addf %add3A_444, %get3A_446 : vector<16xf32>
    %get3A_448 = arith.constant 1584 : index
    %get3A_449 = tpu.vector_load %arg7[%get3A_448] {strides = array<i32>} : memref<2048xf32, #tpu.memory_space<vmem>>, vector<16xf32>,
    %add3A_450 = arith.addf %add3A_447, %get3A_449 : vector<16xf32>
    %get3A_451 = arith.constant 1712 : index
    %get3A_452 = tpu.vector_load %arg7[%get3A_451] {strides = array<i32>} : memref<2048xf32, #tpu.memory_space<vmem>>, vector<16xf32>,
    %add3A_453 = arith.addf %add3A_450, %get3A_452 : vector<16xf32>
    %get3A_454 = arith.constant 1840 : index
    %get3A_455 = tpu.vector_load %arg7[%get3A_454] {strides = array<i32>} : memref<2048xf32, #tpu.memory_space<vmem>>, vector<16xf32>,
    %add3A_456 = arith.addf %add3A_453, %get3A_455 : vector<16xf32>
    %get3A_457 = arith.constant 1968 : index
    %get3A_458 = tpu.vector_load %arg7[%get3A_457] {strides = array<i32>} : memref<2048xf32, #tpu.memory_space<vmem>>, vector<16xf32>,
    %add3A_459 = arith.addf %add3A_456, %get3A_458 : vector<16xf32>
    %swap3A_460 = arith.constant 48 : index
    %swap3A_461 = tpu.vector_load %arg7[%swap3A_460] {strides = array<i32>} : memref<2048xf32, #tpu.memory_space<vmem>>, vector<16xf32>,
    tpu.vector_store %arg7[%swap3A_460], %add3A_459 {strides = array<i32>} : memref<2048xf32, #tpu.memory_space<vmem>>, vector<16xf32>,
    %get3A_462 = arith.constant 64 : index
    %get3A_463 = tpu.vector_load %arg7[%get3A_462] {strides = array<i32>} : memref<2048xf32, #tpu.memory_space<vmem>>, vector<16xf32>,
    %get3A_464 = arith.constant 192 : index
    %get3A_465 = tpu.vector_load %arg7[%get3A_464] {strides = array<i32>} : memref<2048xf32, #tpu.memory_space<vmem>>, vector<16xf32>,
    %add3A_466 = arith.addf %get3A_463, %get3A_465 : vector<16xf32>
    %get3A_467 = arith.constant 320 : index
    %get3A_468 = tpu.vector_load %arg7[%get3A_467] {strides = array<i32>} : memref<2048xf32, #tpu.memory_space<vmem>>, vector<16xf32>,
    %add3A_469 = arith.addf %add3A_466, %get3A_468 : vector<16xf32>
    %get3A_470 = arith.constant 448 : index
    %get3A_471 = tpu.vector_load %arg7[%get3A_470] {strides = array<i32>} : memref<2048xf32, #tpu.memory_space<vmem>>, vector<16xf32>,
    %add3A_472 = arith.addf %add3A_469, %get3A_471 : vector<16xf32>
    %get3A_473 = arith.constant 576 : index
    %get3A_474 = tpu.vector_load %arg7[%get3A_473] {strides = array<i32>} : memref<2048xf32, #tpu.memory_space<vmem>>, vector<16xf32>,
    %add3A_475 = arith.addf %add3A_472, %get3A_474 : vector<16xf32>
    %get3A_476 = arith.constant 704 : index
    %get3A_477 = tpu.vector_load %arg7[%get3A_476] {strides = array<i32>} : memref<2048xf32, #tpu.memory_space<vmem>>, vector<16xf32>,
    %add3A_478 = arith.addf %add3A_475, %get3A_477 : vector<16xf32>
    %get3A_479 = arith.constant 832 : index
    %get3A_480 = tpu.vector_load %arg7[%get3A_479] {strides = array<i32>} : memref<2048xf32, #tpu.memory_space<vmem>>, vector<16xf32>,
    %add3A_481 = arith.addf %add3A_478, %get3A_480 : vector<16xf32>
    %get3A_482 = arith.constant 960 : index
    %get3A_483 = tpu.vector_load %arg7[%get3A_482] {strides = array<i32>} : memref<2048xf32, #tpu.memory_space<vmem>>, vector<16xf32>,
    %add3A_484 = arith.addf %add3A_481, %get3A_483 : vector<16xf32>
    %get3A_485 = arith.constant 1088 : index
    %get3A_486 = tpu.vector_load %arg7[%get3A_485] {strides = array<i32>} : memref<2048xf32, #tpu.memory_space<vmem>>, vector<16xf32>,
    %add3A_487 = arith.addf %add3A_484, %get3A_486 : vector<16xf32>
    %get3A_488 = arith.constant 1216 : index
    %get3A_489 = tpu.vector_load %arg7[%get3A_488] {strides = array<i32>} : memref<2048xf32, #tpu.memory_space<vmem>>, vector<16xf32>,
    %add3A_490 = arith.addf %add3A_487, %get3A_489 : vector<16xf32>
    %get3A_491 = arith.constant 1344 : index
    %get3A_492 = tpu.vector_load %arg7[%get3A_491] {strides = array<i32>} : memref<2048xf32, #tpu.memory_space<vmem>>, vector<16xf32>,
    %add3A_493 = arith.addf %add3A_490, %get3A_492 : vector<16xf32>
    %get3A_494 = arith.constant 1472 : index
    %get3A_495 = tpu.vector_load %arg7[%get3A_494] {strides = array<i32>} : memref<2048xf32, #tpu.memory_space<vmem>>, vector<16xf32>,
    %add3A_496 = arith.addf %add3A_493, %get3A_495 : vector<16xf32>
    %get3A_497 = arith.constant 1600 : index
    %get3A_498 = tpu.vector_load %arg7[%get3A_497] {strides = array<i32>} : memref<2048xf32, #tpu.memory_space<vmem>>, vector<16xf32>,
    %add3A_499 = arith.addf %add3A_496, %get3A_498 : vector<16xf32>
    %get3A_500 = arith.constant 1728 : index
    %get3A_501 = tpu.vector_load %arg7[%get3A_500] {strides = array<i32>} : memref<2048xf32, #tpu.memory_space<vmem>>, vector<16xf32>,
    %add3A_502 = arith.addf %add3A_499, %get3A_501 : vector<16xf32>
    %get3A_503 = arith.constant 1856 : index
    %get3A_504 = tpu.vector_load %arg7[%get3A_503] {strides = array<i32>} : memref<2048xf32, #tpu.memory_space<vmem>>, vector<16xf32>,
    %add3A_505 = arith.addf %add3A_502, %get3A_504 : vector<16xf32>
    %get3A_506 = arith.constant 1984 : index
    %get3A_507 = tpu.vector_load %arg7[%get3A_506] {strides = array<i32>} : memref<2048xf32, #tpu.memory_space<vmem>>, vector<16xf32>,
    %add3A_508 = arith.addf %add3A_505, %get3A_507 : vector<16xf32>
    %swap3A_509 = arith.constant 64 : index
    %swap3A_510 = tpu.vector_load %arg7[%swap3A_509] {strides = array<i32>} : memref<2048xf32, #tpu.memory_space<vmem>>, vector<16xf32>,
    tpu.vector_store %arg7[%swap3A_509], %add3A_508 {strides = array<i32>} : memref<2048xf32, #tpu.memory_space<vmem>>, vector<16xf32>,
    %get3A_511 = arith.constant 80 : index
    %get3A_512 = tpu.vector_load %arg7[%get3A_511] {strides = array<i32>} : memref<2048xf32, #tpu.memory_space<vmem>>, vector<16xf32>,
    %get3A_513 = arith.constant 208 : index
    %get3A_514 = tpu.vector_load %arg7[%get3A_513] {strides = array<i32>} : memref<2048xf32, #tpu.memory_space<vmem>>, vector<16xf32>,
    %add3A_515 = arith.addf %get3A_512, %get3A_514 : vector<16xf32>
    %get3A_516 = arith.constant 336 : index
    %get3A_517 = tpu.vector_load %arg7[%get3A_516] {strides = array<i32>} : memref<2048xf32, #tpu.memory_space<vmem>>, vector<16xf32>,
    %add3A_518 = arith.addf %add3A_515, %get3A_517 : vector<16xf32>
    %get3A_519 = arith.constant 464 : index
    %get3A_520 = tpu.vector_load %arg7[%get3A_519] {strides = array<i32>} : memref<2048xf32, #tpu.memory_space<vmem>>, vector<16xf32>,
    %add3A_521 = arith.addf %add3A_518, %get3A_520 : vector<16xf32>
    %get3A_522 = arith.constant 592 : index
    %get3A_523 = tpu.vector_load %arg7[%get3A_522] {strides = array<i32>} : memref<2048xf32, #tpu.memory_space<vmem>>, vector<16xf32>,
    %add3A_524 = arith.addf %add3A_521, %get3A_523 : vector<16xf32>
    %get3A_525 = arith.constant 720 : index
    %get3A_526 = tpu.vector_load %arg7[%get3A_525] {strides = array<i32>} : memref<2048xf32, #tpu.memory_space<vmem>>, vector<16xf32>,
    %add3A_527 = arith.addf %add3A_524, %get3A_526 : vector<16xf32>
    %get3A_528 = arith.constant 848 : index
    %get3A_529 = tpu.vector_load %arg7[%get3A_528] {strides = array<i32>} : memref<2048xf32, #tpu.memory_space<vmem>>, vector<16xf32>,
    %add3A_530 = arith.addf %add3A_527, %get3A_529 : vector<16xf32>
    %get3A_531 = arith.constant 976 : index
    %get3A_532 = tpu.vector_load %arg7[%get3A_531] {strides = array<i32>} : memref<2048xf32, #tpu.memory_space<vmem>>, vector<16xf32>,
    %add3A_533 = arith.addf %add3A_530, %get3A_532 : vector<16xf32>
    %get3A_534 = arith.constant 1104 : index
    %get3A_535 = tpu.vector_load %arg7[%get3A_534] {strides = array<i32>} : memref<2048xf32, #tpu.memory_space<vmem>>, vector<16xf32>,
    %add3A_536 = arith.addf %add3A_533, %get3A_535 : vector<16xf32>
    %get3A_537 = arith.constant 1232 : index
    %get3A_538 = tpu.vector_load %arg7[%get3A_537] {strides = array<i32>} : memref<2048xf32, #tpu.memory_space<vmem>>, vector<16xf32>,
    %add3A_539 = arith.addf %add3A_536, %get3A_538 : vector<16xf32>
    %get3A_540 = arith.constant 1360 : index
    %get3A_541 = tpu.vector_load %arg7[%get3A_540] {strides = array<i32>} : memref<2048xf32, #tpu.memory_space<vmem>>, vector<16xf32>,
    %add3A_542 = arith.addf %add3A_539, %get3A_541 : vector<16xf32>
    %get3A_543 = arith.constant 1488 : index
    %get3A_544 = tpu.vector_load %arg7[%get3A_543] {strides = array<i32>} : memref<2048xf32, #tpu.memory_space<vmem>>, vector<16xf32>,
    %add3A_545 = arith.addf %add3A_542, %get3A_544 : vector<16xf32>
    %get3A_546 = arith.constant 1616 : index
    %get3A_547 = tpu.vector_load %arg7[%get3A_546] {strides = array<i32>} : memref<2048xf32, #tpu.memory_space<vmem>>, vector<16xf32>,
    %add3A_548 = arith.addf %add3A_545, %get3A_547 : vector<16xf32>
    %get3A_549 = arith.constant 1744 : index
    %get3A_550 = tpu.vector_load %arg7[%get3A_549] {strides = array<i32>} : memref<2048xf32, #tpu.memory_space<vmem>>, vector<16xf32>,
    %add3A_551 = arith.addf %add3A_548, %get3A_550 : vector<16xf32>
    %get3A_552 = arith.constant 1872 : index
    %get3A_553 = tpu.vector_load %arg7[%get3A_552] {strides = array<i32>} : memref<2048xf32, #tpu.memory_space<vmem>>, vector<16xf32>,
    %add3A_554 = arith.addf %add3A_551, %get3A_553 : vector<16xf32>
    %get3A_555 = arith.constant 2000 : index
    %get3A_556 = tpu.vector_load %arg7[%get3A_555] {strides = array<i32>} : memref<2048xf32, #tpu.memory_space<vmem>>, vector<16xf32>,
    %add3A_557 = arith.addf %add3A_554, %get3A_556 : vector<16xf32>
    %swap3A_558 = arith.constant 80 : index
    %swap3A_559 = tpu.vector_load %arg7[%swap3A_558] {strides = array<i32>} : memref<2048xf32, #tpu.memory_space<vmem>>, vector<16xf32>,
    tpu.vector_store %arg7[%swap3A_558], %add3A_557 {strides = array<i32>} : memref<2048xf32, #tpu.memory_space<vmem>>, vector<16xf32>,
    %get3A_560 = arith.constant 96 : index
    %get3A_561 = tpu.vector_load %arg7[%get3A_560] {strides = array<i32>} : memref<2048xf32, #tpu.memory_space<vmem>>, vector<16xf32>,
    %get3A_562 = arith.constant 224 : index
    %get3A_563 = tpu.vector_load %arg7[%get3A_562] {strides = array<i32>} : memref<2048xf32, #tpu.memory_space<vmem>>, vector<16xf32>,
    %add3A_564 = arith.addf %get3A_561, %get3A_563 : vector<16xf32>
    %get3A_565 = arith.constant 352 : index
    %get3A_566 = tpu.vector_load %arg7[%get3A_565] {strides = array<i32>} : memref<2048xf32, #tpu.memory_space<vmem>>, vector<16xf32>,
    %add3A_567 = arith.addf %add3A_564, %get3A_566 : vector<16xf32>
    %get3A_568 = arith.constant 480 : index
    %get3A_569 = tpu.vector_load %arg7[%get3A_568] {strides = array<i32>} : memref<2048xf32, #tpu.memory_space<vmem>>, vector<16xf32>,
    %add3A_570 = arith.addf %add3A_567, %get3A_569 : vector<16xf32>
    %get3A_571 = arith.constant 608 : index
    %get3A_572 = tpu.vector_load %arg7[%get3A_571] {strides = array<i32>} : memref<2048xf32, #tpu.memory_space<vmem>>, vector<16xf32>,
    %add3A_573 = arith.addf %add3A_570, %get3A_572 : vector<16xf32>
    %get3A_574 = arith.constant 736 : index
    %get3A_575 = tpu.vector_load %arg7[%get3A_574] {strides = array<i32>} : memref<2048xf32, #tpu.memory_space<vmem>>, vector<16xf32>,
    %add3A_576 = arith.addf %add3A_573, %get3A_575 : vector<16xf32>
    %get3A_577 = arith.constant 864 : index
    %get3A_578 = tpu.vector_load %arg7[%get3A_577] {strides = array<i32>} : memref<2048xf32, #tpu.memory_space<vmem>>, vector<16xf32>,
    %add3A_579 = arith.addf %add3A_576, %get3A_578 : vector<16xf32>
    %get3A_580 = arith.constant 992 : index
    %get3A_581 = tpu.vector_load %arg7[%get3A_580] {strides = array<i32>} : memref<2048xf32, #tpu.memory_space<vmem>>, vector<16xf32>,
    %add3A_582 = arith.addf %add3A_579, %get3A_581 : vector<16xf32>
    %get3A_583 = arith.constant 1120 : index
    %get3A_584 = tpu.vector_load %arg7[%get3A_583] {strides = array<i32>} : memref<2048xf32, #tpu.memory_space<vmem>>, vector<16xf32>,
    %add3A_585 = arith.addf %add3A_582, %get3A_584 : vector<16xf32>
    %get3A_586 = arith.constant 1248 : index
    %get3A_587 = tpu.vector_load %arg7[%get3A_586] {strides = array<i32>} : memref<2048xf32, #tpu.memory_space<vmem>>, vector<16xf32>,
    %add3A_588 = arith.addf %add3A_585, %get3A_587 : vector<16xf32>
    %get3A_589 = arith.constant 1376 : index
    %get3A_590 = tpu.vector_load %arg7[%get3A_589] {strides = array<i32>} : memref<2048xf32, #tpu.memory_space<vmem>>, vector<16xf32>,
    %add3A_591 = arith.addf %add3A_588, %get3A_590 : vector<16xf32>
    %get3A_592 = arith.constant 1504 : index
    %get3A_593 = tpu.vector_load %arg7[%get3A_592] {strides = array<i32>} : memref<2048xf32, #tpu.memory_space<vmem>>, vector<16xf32>,
    %add3A_594 = arith.addf %add3A_591, %get3A_593 : vector<16xf32>
    %get3A_595 = arith.constant 1632 : index
    %get3A_596 = tpu.vector_load %arg7[%get3A_595] {strides = array<i32>} : memref<2048xf32, #tpu.memory_space<vmem>>, vector<16xf32>,
    %add3A_597 = arith.addf %add3A_594, %get3A_596 : vector<16xf32>
    %get3A_598 = arith.constant 1760 : index
    %get3A_599 = tpu.vector_load %arg7[%get3A_598] {strides = array<i32>} : memref<2048xf32, #tpu.memory_space<vmem>>, vector<16xf32>,
    %add3A_600 = arith.addf %add3A_597, %get3A_599 : vector<16xf32>
    %get3A_601 = arith.constant 1888 : index
    %get3A_602 = tpu.vector_load %arg7[%get3A_601] {strides = array<i32>} : memref<2048xf32, #tpu.memory_space<vmem>>, vector<16xf32>,
    %add3A_603 = arith.addf %add3A_600, %get3A_602 : vector<16xf32>
    %get3A_604 = arith.constant 2016 : index
    %get3A_605 = tpu.vector_load %arg7[%get3A_604] {strides = array<i32>} : memref<2048xf32, #tpu.memory_space<vmem>>, vector<16xf32>,
    %add3A_606 = arith.addf %add3A_603, %get3A_605 : vector<16xf32>
    %swap3A_607 = arith.constant 96 : index
    %swap3A_608 = tpu.vector_load %arg7[%swap3A_607] {strides = array<i32>} : memref<2048xf32, #tpu.memory_space<vmem>>, vector<16xf32>,
    tpu.vector_store %arg7[%swap3A_607], %add3A_606 {strides = array<i32>} : memref<2048xf32, #tpu.memory_space<vmem>>, vector<16xf32>,
    %get3A_609 = arith.constant 112 : index
    %get3A_610 = tpu.vector_load %arg7[%get3A_609] {strides = array<i32>} : memref<2048xf32, #tpu.memory_space<vmem>>, vector<16xf32>,
    %get3A_611 = arith.constant 240 : index
    %get3A_612 = tpu.vector_load %arg7[%get3A_611] {strides = array<i32>} : memref<2048xf32, #tpu.memory_space<vmem>>, vector<16xf32>,
    %add3A_613 = arith.addf %get3A_610, %get3A_612 : vector<16xf32>
    %get3A_614 = arith.constant 368 : index
    %get3A_615 = tpu.vector_load %arg7[%get3A_614] {strides = array<i32>} : memref<2048xf32, #tpu.memory_space<vmem>>, vector<16xf32>,
    %add3A_616 = arith.addf %add3A_613, %get3A_615 : vector<16xf32>
    %get3A_617 = arith.constant 496 : index
    %get3A_618 = tpu.vector_load %arg7[%get3A_617] {strides = array<i32>} : memref<2048xf32, #tpu.memory_space<vmem>>, vector<16xf32>,
    %add3A_619 = arith.addf %add3A_616, %get3A_618 : vector<16xf32>
    %get3A_620 = arith.constant 624 : index
    %get3A_621 = tpu.vector_load %arg7[%get3A_620] {strides = array<i32>} : memref<2048xf32, #tpu.memory_space<vmem>>, vector<16xf32>,
    %add3A_622 = arith.addf %add3A_619, %get3A_621 : vector<16xf32>
    %get3A_623 = arith.constant 752 : index
    %get3A_624 = tpu.vector_load %arg7[%get3A_623] {strides = array<i32>} : memref<2048xf32, #tpu.memory_space<vmem>>, vector<16xf32>,
    %add3A_625 = arith.addf %add3A_622, %get3A_624 : vector<16xf32>
    %get3A_626 = arith.constant 880 : index
    %get3A_627 = tpu.vector_load %arg7[%get3A_626] {strides = array<i32>} : memref<2048xf32, #tpu.memory_space<vmem>>, vector<16xf32>,
    %add3A_628 = arith.addf %add3A_625, %get3A_627 : vector<16xf32>
    %get3A_629 = arith.constant 1008 : index
    %get3A_630 = tpu.vector_load %arg7[%get3A_629] {strides = array<i32>} : memref<2048xf32, #tpu.memory_space<vmem>>, vector<16xf32>,
    %add3A_631 = arith.addf %add3A_628, %get3A_630 : vector<16xf32>
    %get3A_632 = arith.constant 1136 : index
    %get3A_633 = tpu.vector_load %arg7[%get3A_632] {strides = array<i32>} : memref<2048xf32, #tpu.memory_space<vmem>>, vector<16xf32>,
    %add3A_634 = arith.addf %add3A_631, %get3A_633 : vector<16xf32>
    %get3A_635 = arith.constant 1264 : index
    %get3A_636 = tpu.vector_load %arg7[%get3A_635] {strides = array<i32>} : memref<2048xf32, #tpu.memory_space<vmem>>, vector<16xf32>,
    %add3A_637 = arith.addf %add3A_634, %get3A_636 : vector<16xf32>
    %get3A_638 = arith.constant 1392 : index
    %get3A_639 = tpu.vector_load %arg7[%get3A_638] {strides = array<i32>} : memref<2048xf32, #tpu.memory_space<vmem>>, vector<16xf32>,
    %add3A_640 = arith.addf %add3A_637, %get3A_639 : vector<16xf32>
    %get3A_641 = arith.constant 1520 : index
    %get3A_642 = tpu.vector_load %arg7[%get3A_641] {strides = array<i32>} : memref<2048xf32, #tpu.memory_space<vmem>>, vector<16xf32>,
    %add3A_643 = arith.addf %add3A_640, %get3A_642 : vector<16xf32>
    %get3A_644 = arith.constant 1648 : index
    %get3A_645 = tpu.vector_load %arg7[%get3A_644] {strides = array<i32>} : memref<2048xf32, #tpu.memory_space<vmem>>, vector<16xf32>,
    %add3A_646 = arith.addf %add3A_643, %get3A_645 : vector<16xf32>
    %get3A_647 = arith.constant 1776 : index
    %get3A_648 = tpu.vector_load %arg7[%get3A_647] {strides = array<i32>} : memref<2048xf32, #tpu.memory_space<vmem>>, vector<16xf32>,
    %add3A_649 = arith.addf %add3A_646, %get3A_648 : vector<16xf32>
    %get3A_650 = arith.constant 1904 : index
    %get3A_651 = tpu.vector_load %arg7[%get3A_650] {strides = array<i32>} : memref<2048xf32, #tpu.memory_space<vmem>>, vector<16xf32>,
    %add3A_652 = arith.addf %add3A_649, %get3A_651 : vector<16xf32>
    %get3A_653 = arith.constant 2032 : index
    %get3A_654 = tpu.vector_load %arg7[%get3A_653] {strides = array<i32>} : memref<2048xf32, #tpu.memory_space<vmem>>, vector<16xf32>,
    %add3A_655 = arith.addf %add3A_652, %get3A_654 : vector<16xf32>
    %swap3A_656 = arith.constant 112 : index
    %swap3A_657 = tpu.vector_load %arg7[%swap3A_656] {strides = array<i32>} : memref<2048xf32, #tpu.memory_space<vmem>>, vector<16xf32>,
    tpu.vector_store %arg7[%swap3A_656], %add3A_655 {strides = array<i32>} : memref<2048xf32, #tpu.memory_space<vmem>>, vector<16xf32>,
    "tpu.region"() ({
      %run_scoped3A = tpu.sem_alloc : memref<!tpu.dma_semaphore, #tpu.memory_space<semaphore_mem>>
      %dma_start3A = arith.constant 0 : i32
      %dma_start3A_660 = tpu.memref_slice %arg7[%dma_start3A] : memref<2048xf32, #tpu.memory_space<vmem>> -> memref<128xf32, #tpu.memory_space<vmem>>
      %dma_start3A_661 = arith.constant 0 : i32
      %dma_start3A_662 = tpu.memref_slice %arg9[%arg1, %dma_start3A_661] : memref<16x128xf32, #tpu.memory_space<vmem_shared>> -> memref<1x128xf32, #tpu.memory_space<vmem_shared>>
      %dma_start3A_663 = tpu.memref_squeeze %dma_start3A_662 : memref<1x128xf32, #tpu.memory_space<vmem_shared>> -> memref<128xf32, #tpu.memory_space<vmem_shared>>
      %dma_start3A_664 = arith.constant 0 : i32
      %dma_start3A_665 = tpu.memref_slice %arg9[%arg1, %dma_start3A_664] : memref<16x128xf32, #tpu.memory_space<vmem_shared>> -> memref<1x128xf32, #tpu.memory_space<vmem_shared>>
      %dma_start3A_666 = tpu.memref_squeeze %dma_start3A_665 : memref<1x128xf32, #tpu.memory_space<vmem_shared>> -> memref<128xf32, #tpu.memory_space<vmem_shared>>
      %dma_start3A_667 = arith.constant 0 : i32
      %dma_start3A_668 = tpu.memref_slice %arg7[%dma_start3A_667] : memref<2048xf32, #tpu.memory_space<vmem>> -> memref<128xf32, #tpu.memory_space<vmem>>
      tpu.enqueue_dma source(%dma_start3A_668 : memref<128xf32, #tpu.memory_space<vmem>>) target(%dma_start3A_666 : memref<128xf32, #tpu.memory_space<vmem_shared>>) target_semaphore(%run_scoped3A : memref<!tpu.dma_semaphore, #tpu.memory_space<semaphore_mem>>)
      %dma_wait3A = arith.constant 0 : i32
      %dma_wait3A_669 = tpu.memref_slice %arg7[%dma_wait3A] : memref<2048xf32, #tpu.memory_space<vmem>> -> memref<128xf32, #tpu.memory_space<vmem>>
      %dma_wait3A_670 = arith.constant 0 : i32
      %dma_wait3A_671 = tpu.memref_slice %arg9[%arg1, %dma_wait3A_670] : memref<16x128xf32, #tpu.memory_space<vmem_shared>> -> memref<1x128xf32, #tpu.memory_space<vmem_shared>>
      %dma_wait3A_672 = tpu.memref_squeeze %dma_wait3A_671 : memref<1x128xf32, #tpu.memory_space<vmem_shared>> -> memref<128xf32, #tpu.memory_space<vmem_shared>>
      %dma_wait3A_673 = arith.constant 0 : i32
      %dma_wait3A_674 = tpu.memref_slice %arg9[%arg1, %dma_wait3A_673] : memref<16x128xf32, #tpu.memory_space<vmem_shared>> -> memref<1x128xf32, #tpu.memory_space<vmem_shared>>
      %dma_wait3A_675 = tpu.memref_squeeze %dma_wait3A_674 : memref<1x128xf32, #tpu.memory_space<vmem_shared>> -> memref<128xf32, #tpu.memory_space<vmem_shared>>
      %dma_wait3A_676 = arith.constant 0 : i32
      %dma_wait3A_677 = tpu.memref_slice %arg7[%dma_wait3A_676] : memref<2048xf32, #tpu.memory_space<vmem>> -> memref<128xf32, #tpu.memory_space<vmem>>
      tpu.wait_dma2 semaphore(%run_scoped3A : memref<!tpu.dma_semaphore, #tpu.memory_space<semaphore_mem>>) src(%dma_wait3A_677 : memref<128xf32, #tpu.memory_space<vmem>>) dst(%dma_wait3A_675 : memref<128xf32, #tpu.memory_space<vmem_shared>>)
      tpu.yield
    }) : () -> ()
    %barrier3A = arith.constant 0 : index
    tpu.barrier barrier_id(%barrier3A)
    %eq3A = arith.constant 0 : i32
    %eq3A_658 = arith.cmpi eq, %arg1, %eq3A : i32
    %convert_element_type3A = arith.extui %eq3A_658 : i1 to i32
    %cond3A = arith.constant 0 : i32
    %cond3A_659 = arith.cmpi ne, %convert_element_type3A, %cond3A : i32
    scf.if %cond3A_659 {
      "tpu.region"() ({
        %run_scoped3A = tpu.sem_alloc : memref<!tpu.dma_semaphore, #tpu.memory_space<semaphore_mem>>
        tpu.enqueue_dma source(%arg9 : memref<16x128xf32, #tpu.memory_space<vmem_shared>>) target(%arg8 : memref<16x128xf32, #tpu.memory_space<vmem>>) target_semaphore(%run_scoped3A : memref<!tpu.dma_semaphore, #tpu.memory_space<semaphore_mem>>)
        tpu.wait_dma2 semaphore(%run_scoped3A : memref<!tpu.dma_semaphore, #tpu.memory_space<semaphore_mem>>) src(%arg9 : memref<16x128xf32, #tpu.memory_space<vmem_shared>>) dst(%arg8 : memref<16x128xf32, #tpu.memory_space<vmem>>)
        tpu.yield
      }) : () -> ()
      %get3A_660 = arith.constant 0 : i32
      %get3A_661 = arith.index_cast %get3A_660 : i32 to index
      %get3A_662 = arith.constant 0 : index
      %get3A_663 = tpu.vector_load %arg8[%get3A_661, %get3A_662] {strides = array<i32>} : memref<16x128xf32, #tpu.memory_space<vmem>>, vector<16xf32>,
      %get3A_664 = arith.constant 1 : i32
      %get3A_665 = arith.index_cast %get3A_664 : i32 to index
      %get3A_666 = arith.constant 0 : index
      %get3A_667 = tpu.vector_load %arg8[%get3A_665, %get3A_666] {strides = array<i32>} : memref<16x128xf32, #tpu.memory_space<vmem>>, vector<16xf32>,
      %add3A_668 = arith.addf %get3A_663, %get3A_667 : vector<16xf32>
      %get3A_669 = arith.constant 2 : i32
      %get3A_670 = arith.index_cast %get3A_669 : i32 to index
      %get3A_671 = arith.constant 0 : index
      %get3A_672 = tpu.vector_load %arg8[%get3A_670, %get3A_671] {strides = array<i32>} : memref<16x128xf32, #tpu.memory_space<vmem>>, vector<16xf32>,
      %add3A_673 = arith.addf %add3A_668, %get3A_672 : vector<16xf32>
      %get3A_674 = arith.constant 3 : i32
      %get3A_675 = arith.index_cast %get3A_674 : i32 to index
      %get3A_676 = arith.constant 0 : index
      %get3A_677 = tpu.vector_load %arg8[%get3A_675, %get3A_676] {strides = array<i32>} : memref<16x128xf32, #tpu.memory_space<vmem>>, vector<16xf32>,
      %add3A_678 = arith.addf %add3A_673, %get3A_677 : vector<16xf32>
      %get3A_679 = arith.constant 4 : i32
      %get3A_680 = arith.index_cast %get3A_679 : i32 to index
      %get3A_681 = arith.constant 0 : index
      %get3A_682 = tpu.vector_load %arg8[%get3A_680, %get3A_681] {strides = array<i32>} : memref<16x128xf32, #tpu.memory_space<vmem>>, vector<16xf32>,
      %add3A_683 = arith.addf %add3A_678, %get3A_682 : vector<16xf32>
      %get3A_684 = arith.constant 5 : i32
      %get3A_685 = arith.index_cast %get3A_684 : i32 to index
      %get3A_686 = arith.constant 0 : index
      %get3A_687 = tpu.vector_load %arg8[%get3A_685, %get3A_686] {strides = array<i32>} : memref<16x128xf32, #tpu.memory_space<vmem>>, vector<16xf32>,
      %add3A_688 = arith.addf %add3A_683, %get3A_687 : vector<16xf32>
      %get3A_689 = arith.constant 6 : i32
      %get3A_690 = arith.index_cast %get3A_689 : i32 to index
      %get3A_691 = arith.constant 0 : index
      %get3A_692 = tpu.vector_load %arg8[%get3A_690, %get3A_691] {strides = array<i32>} : memref<16x128xf32, #tpu.memory_space<vmem>>, vector<16xf32>,
      %add3A_693 = arith.addf %add3A_688, %get3A_692 : vector<16xf32>
      %get3A_694 = arith.constant 7 : i32
      %get3A_695 = arith.index_cast %get3A_694 : i32 to index
      %get3A_696 = arith.constant 0 : index
      %get3A_697 = tpu.vector_load %arg8[%get3A_695, %get3A_696] {strides = array<i32>} : memref<16x128xf32, #tpu.memory_space<vmem>>, vector<16xf32>,
      %add3A_698 = arith.addf %add3A_693, %get3A_697 : vector<16xf32>
      %get3A_699 = arith.constant 8 : i32
      %get3A_700 = arith.index_cast %get3A_699 : i32 to index
      %get3A_701 = arith.constant 0 : index
      %get3A_702 = tpu.vector_load %arg8[%get3A_700, %get3A_701] {strides = array<i32>} : memref<16x128xf32, #tpu.memory_space<vmem>>, vector<16xf32>,
      %add3A_703 = arith.addf %add3A_698, %get3A_702 : vector<16xf32>
      %get3A_704 = arith.constant 9 : i32
      %get3A_705 = arith.index_cast %get3A_704 : i32 to index
      %get3A_706 = arith.constant 0 : index
      %get3A_707 = tpu.vector_load %arg8[%get3A_705, %get3A_706] {strides = array<i32>} : memref<16x128xf32, #tpu.memory_space<vmem>>, vector<16xf32>,
      %add3A_708 = arith.addf %add3A_703, %get3A_707 : vector<16xf32>
      %get3A_709 = arith.constant 10 : i32
      %get3A_710 = arith.index_cast %get3A_709 : i32 to index
      %get3A_711 = arith.constant 0 : index
      %get3A_712 = tpu.vector_load %arg8[%get3A_710, %get3A_711] {strides = array<i32>} : memref<16x128xf32, #tpu.memory_space<vmem>>, vector<16xf32>,
      %add3A_713 = arith.addf %add3A_708, %get3A_712 : vector<16xf32>
      %get3A_714 = arith.constant 11 : i32
      %get3A_715 = arith.index_cast %get3A_714 : i32 to index
      %get3A_716 = arith.constant 0 : index
      %get3A_717 = tpu.vector_load %arg8[%get3A_715, %get3A_716] {strides = array<i32>} : memref<16x128xf32, #tpu.memory_space<vmem>>, vector<16xf32>,
      %add3A_718 = arith.addf %add3A_713, %get3A_717 : vector<16xf32>
      %get3A_719 = arith.constant 12 : i32
      %get3A_720 = arith.index_cast %get3A_719 : i32 to index
      %get3A_721 = arith.constant 0 : index
      %get3A_722 = tpu.vector_load %arg8[%get3A_720, %get3A_721] {strides = array<i32>} : memref<16x128xf32, #tpu.memory_space<vmem>>, vector<16xf32>,
      %add3A_723 = arith.addf %add3A_718, %get3A_722 : vector<16xf32>
      %get3A_724 = arith.constant 13 : i32
      %get3A_725 = arith.index_cast %get3A_724 : i32 to index
      %get3A_726 = arith.constant 0 : index
      %get3A_727 = tpu.vector_load %arg8[%get3A_725, %get3A_726] {strides = array<i32>} : memref<16x128xf32, #tpu.memory_space<vmem>>, vector<16xf32>,
      %add3A_728 = arith.addf %add3A_723, %get3A_727 : vector<16xf32>
      %get3A_729 = arith.constant 14 : i32
      %get3A_730 = arith.index_cast %get3A_729 : i32 to index
      %get3A_731 = arith.constant 0 : index
      %get3A_732 = tpu.vector_load %arg8[%get3A_730, %get3A_731] {strides = array<i32>} : memref<16x128xf32, #tpu.memory_space<vmem>>, vector<16xf32>,
      %add3A_733 = arith.addf %add3A_728, %get3A_732 : vector<16xf32>
      %get3A_734 = arith.constant 15 : i32
      %get3A_735 = arith.index_cast %get3A_734 : i32 to index
      %get3A_736 = arith.constant 0 : index
      %get3A_737 = tpu.vector_load %arg8[%get3A_735, %get3A_736] {strides = array<i32>} : memref<16x128xf32, #tpu.memory_space<vmem>>, vector<16xf32>,
      %add3A_738 = arith.addf %add3A_733, %get3A_737 : vector<16xf32>
      %swap3A_739 = arith.constant 0 : index
      %swap3A_740 = tpu.vector_load %arg7[%swap3A_739] {strides = array<i32>} : memref<2048xf32, #tpu.memory_space<vmem>>, vector<16xf32>,
      tpu.vector_store %arg7[%swap3A_739], %add3A_738 {strides = array<i32>} : memref<2048xf32, #tpu.memory_space<vmem>>, vector<16xf32>,
      %get3A_741 = arith.constant 0 : i32
      %get3A_742 = arith.index_cast %get3A_741 : i32 to index
      %get3A_743 = arith.constant 16 : index
      %get3A_744 = tpu.vector_load %arg8[%get3A_742, %get3A_743] {strides = array<i32>} : memref<16x128xf32, #tpu.memory_space<vmem>>, vector<16xf32>,
      %get3A_745 = arith.constant 1 : i32
      %get3A_746 = arith.index_cast %get3A_745 : i32 to index
      %get3A_747 = arith.constant 16 : index
      %get3A_748 = tpu.vector_load %arg8[%get3A_746, %get3A_747] {strides = array<i32>} : memref<16x128xf32, #tpu.memory_space<vmem>>, vector<16xf32>,
      %add3A_749 = arith.addf %get3A_744, %get3A_748 : vector<16xf32>
      %get3A_750 = arith.constant 2 : i32
      %get3A_751 = arith.index_cast %get3A_750 : i32 to index
      %get3A_752 = arith.constant 16 : index
      %get3A_753 = tpu.vector_load %arg8[%get3A_751, %get3A_752] {strides = array<i32>} : memref<16x128xf32, #tpu.memory_space<vmem>>, vector<16xf32>,
      %add3A_754 = arith.addf %add3A_749, %get3A_753 : vector<16xf32>
      %get3A_755 = arith.constant 3 : i32
      %get3A_756 = arith.index_cast %get3A_755 : i32 to index
      %get3A_757 = arith.constant 16 : index
      %get3A_758 = tpu.vector_load %arg8[%get3A_756, %get3A_757] {strides = array<i32>} : memref<16x128xf32, #tpu.memory_space<vmem>>, vector<16xf32>,
      %add3A_759 = arith.addf %add3A_754, %get3A_758 : vector<16xf32>
      %get3A_760 = arith.constant 4 : i32
      %get3A_761 = arith.index_cast %get3A_760 : i32 to index
      %get3A_762 = arith.constant 16 : index
      %get3A_763 = tpu.vector_load %arg8[%get3A_761, %get3A_762] {strides = array<i32>} : memref<16x128xf32, #tpu.memory_space<vmem>>, vector<16xf32>,
      %add3A_764 = arith.addf %add3A_759, %get3A_763 : vector<16xf32>
      %get3A_765 = arith.constant 5 : i32
      %get3A_766 = arith.index_cast %get3A_765 : i32 to index
      %get3A_767 = arith.constant 16 : index
      %get3A_768 = tpu.vector_load %arg8[%get3A_766, %get3A_767] {strides = array<i32>} : memref<16x128xf32, #tpu.memory_space<vmem>>, vector<16xf32>,
      %add3A_769 = arith.addf %add3A_764, %get3A_768 : vector<16xf32>
      %get3A_770 = arith.constant 6 : i32
      %get3A_771 = arith.index_cast %get3A_770 : i32 to index
      %get3A_772 = arith.constant 16 : index
      %get3A_773 = tpu.vector_load %arg8[%get3A_771, %get3A_772] {strides = array<i32>} : memref<16x128xf32, #tpu.memory_space<vmem>>, vector<16xf32>,
      %add3A_774 = arith.addf %add3A_769, %get3A_773 : vector<16xf32>
      %get3A_775 = arith.constant 7 : i32
      %get3A_776 = arith.index_cast %get3A_775 : i32 to index
      %get3A_777 = arith.constant 16 : index
      %get3A_778 = tpu.vector_load %arg8[%get3A_776, %get3A_777] {strides = array<i32>} : memref<16x128xf32, #tpu.memory_space<vmem>>, vector<16xf32>,
      %add3A_779 = arith.addf %add3A_774, %get3A_778 : vector<16xf32>
      %get3A_780 = arith.constant 8 : i32
      %get3A_781 = arith.index_cast %get3A_780 : i32 to index
      %get3A_782 = arith.constant 16 : index
      %get3A_783 = tpu.vector_load %arg8[%get3A_781, %get3A_782] {strides = array<i32>} : memref<16x128xf32, #tpu.memory_space<vmem>>, vector<16xf32>,
      %add3A_784 = arith.addf %add3A_779, %get3A_783 : vector<16xf32>
      %get3A_785 = arith.constant 9 : i32
      %get3A_786 = arith.index_cast %get3A_785 : i32 to index
      %get3A_787 = arith.constant 16 : index
      %get3A_788 = tpu.vector_load %arg8[%get3A_786, %get3A_787] {strides = array<i32>} : memref<16x128xf32, #tpu.memory_space<vmem>>, vector<16xf32>,
      %add3A_789 = arith.addf %add3A_784, %get3A_788 : vector<16xf32>
      %get3A_790 = arith.constant 10 : i32
      %get3A_791 = arith.index_cast %get3A_790 : i32 to index
      %get3A_792 = arith.constant 16 : index
      %get3A_793 = tpu.vector_load %arg8[%get3A_791, %get3A_792] {strides = array<i32>} : memref<16x128xf32, #tpu.memory_space<vmem>>, vector<16xf32>,
      %add3A_794 = arith.addf %add3A_789, %get3A_793 : vector<16xf32>
      %get3A_795 = arith.constant 11 : i32
      %get3A_796 = arith.index_cast %get3A_795 : i32 to index
      %get3A_797 = arith.constant 16 : index
      %get3A_798 = tpu.vector_load %arg8[%get3A_796, %get3A_797] {strides = array<i32>} : memref<16x128xf32, #tpu.memory_space<vmem>>, vector<16xf32>,
      %add3A_799 = arith.addf %add3A_794, %get3A_798 : vector<16xf32>
      %get3A_800 = arith.constant 12 : i32
      %get3A_801 = arith.index_cast %get3A_800 : i32 to index
      %get3A_802 = arith.constant 16 : index
      %get3A_803 = tpu.vector_load %arg8[%get3A_801, %get3A_802] {strides = array<i32>} : memref<16x128xf32, #tpu.memory_space<vmem>>, vector<16xf32>,
      %add3A_804 = arith.addf %add3A_799, %get3A_803 : vector<16xf32>
      %get3A_805 = arith.constant 13 : i32
      %get3A_806 = arith.index_cast %get3A_805 : i32 to index
      %get3A_807 = arith.constant 16 : index
      %get3A_808 = tpu.vector_load %arg8[%get3A_806, %get3A_807] {strides = array<i32>} : memref<16x128xf32, #tpu.memory_space<vmem>>, vector<16xf32>,
      %add3A_809 = arith.addf %add3A_804, %get3A_808 : vector<16xf32>
      %get3A_810 = arith.constant 14 : i32
      %get3A_811 = arith.index_cast %get3A_810 : i32 to index
      %get3A_812 = arith.constant 16 : index
      %get3A_813 = tpu.vector_load %arg8[%get3A_811, %get3A_812] {strides = array<i32>} : memref<16x128xf32, #tpu.memory_space<vmem>>, vector<16xf32>,
      %add3A_814 = arith.addf %add3A_809, %get3A_813 : vector<16xf32>
      %get3A_815 = arith.constant 15 : i32
      %get3A_816 = arith.index_cast %get3A_815 : i32 to index
      %get3A_817 = arith.constant 16 : index
      %get3A_818 = tpu.vector_load %arg8[%get3A_816, %get3A_817] {strides = array<i32>} : memref<16x128xf32, #tpu.memory_space<vmem>>, vector<16xf32>,
      %add3A_819 = arith.addf %add3A_814, %get3A_818 : vector<16xf32>
      %swap3A_820 = arith.constant 16 : index
      %swap3A_821 = tpu.vector_load %arg7[%swap3A_820] {strides = array<i32>} : memref<2048xf32, #tpu.memory_space<vmem>>, vector<16xf32>,
      tpu.vector_store %arg7[%swap3A_820], %add3A_819 {strides = array<i32>} : memref<2048xf32, #tpu.memory_space<vmem>>, vector<16xf32>,
      %get3A_822 = arith.constant 0 : i32
      %get3A_823 = arith.index_cast %get3A_822 : i32 to index
      %get3A_824 = arith.constant 32 : index
      %get3A_825 = tpu.vector_load %arg8[%get3A_823, %get3A_824] {strides = array<i32>} : memref<16x128xf32, #tpu.memory_space<vmem>>, vector<16xf32>,
      %get3A_826 = arith.constant 1 : i32
      %get3A_827 = arith.index_cast %get3A_826 : i32 to index
      %get3A_828 = arith.constant 32 : index
      %get3A_829 = tpu.vector_load %arg8[%get3A_827, %get3A_828] {strides = array<i32>} : memref<16x128xf32, #tpu.memory_space<vmem>>, vector<16xf32>,
      %add3A_830 = arith.addf %get3A_825, %get3A_829 : vector<16xf32>
      %get3A_831 = arith.constant 2 : i32
      %get3A_832 = arith.index_cast %get3A_831 : i32 to index
      %get3A_833 = arith.constant 32 : index
      %get3A_834 = tpu.vector_load %arg8[%get3A_832, %get3A_833] {strides = array<i32>} : memref<16x128xf32, #tpu.memory_space<vmem>>, vector<16xf32>,
      %add3A_835 = arith.addf %add3A_830, %get3A_834 : vector<16xf32>
      %get3A_836 = arith.constant 3 : i32
      %get3A_837 = arith.index_cast %get3A_836 : i32 to index
      %get3A_838 = arith.constant 32 : index
      %get3A_839 = tpu.vector_load %arg8[%get3A_837, %get3A_838] {strides = array<i32>} : memref<16x128xf32, #tpu.memory_space<vmem>>, vector<16xf32>,
      %add3A_840 = arith.addf %add3A_835, %get3A_839 : vector<16xf32>
      %get3A_841 = arith.constant 4 : i32
      %get3A_842 = arith.index_cast %get3A_841 : i32 to index
      %get3A_843 = arith.constant 32 : index
      %get3A_844 = tpu.vector_load %arg8[%get3A_842, %get3A_843] {strides = array<i32>} : memref<16x128xf32, #tpu.memory_space<vmem>>, vector<16xf32>,
      %add3A_845 = arith.addf %add3A_840, %get3A_844 : vector<16xf32>
      %get3A_846 = arith.constant 5 : i32
      %get3A_847 = arith.index_cast %get3A_846 : i32 to index
      %get3A_848 = arith.constant 32 : index
      %get3A_849 = tpu.vector_load %arg8[%get3A_847, %get3A_848] {strides = array<i32>} : memref<16x128xf32, #tpu.memory_space<vmem>>, vector<16xf32>,
      %add3A_850 = arith.addf %add3A_845, %get3A_849 : vector<16xf32>
      %get3A_851 = arith.constant 6 : i32
      %get3A_852 = arith.index_cast %get3A_851 : i32 to index
      %get3A_853 = arith.constant 32 : index
      %get3A_854 = tpu.vector_load %arg8[%get3A_852, %get3A_853] {strides = array<i32>} : memref<16x128xf32, #tpu.memory_space<vmem>>, vector<16xf32>,
      %add3A_855 = arith.addf %add3A_850, %get3A_854 : vector<16xf32>
      %get3A_856 = arith.constant 7 : i32
      %get3A_857 = arith.index_cast %get3A_856 : i32 to index
      %get3A_858 = arith.constant 32 : index
      %get3A_859 = tpu.vector_load %arg8[%get3A_857, %get3A_858] {strides = array<i32>} : memref<16x128xf32, #tpu.memory_space<vmem>>, vector<16xf32>,
      %add3A_860 = arith.addf %add3A_855, %get3A_859 : vector<16xf32>
      %get3A_861 = arith.constant 8 : i32
      %get3A_862 = arith.index_cast %get3A_861 : i32 to index
      %get3A_863 = arith.constant 32 : index
      %get3A_864 = tpu.vector_load %arg8[%get3A_862, %get3A_863] {strides = array<i32>} : memref<16x128xf32, #tpu.memory_space<vmem>>, vector<16xf32>,
      %add3A_865 = arith.addf %add3A_860, %get3A_864 : vector<16xf32>
      %get3A_866 = arith.constant 9 : i32
      %get3A_867 = arith.index_cast %get3A_866 : i32 to index
      %get3A_868 = arith.constant 32 : index
      %get3A_869 = tpu.vector_load %arg8[%get3A_867, %get3A_868] {strides = array<i32>} : memref<16x128xf32, #tpu.memory_space<vmem>>, vector<16xf32>,
      %add3A_870 = arith.addf %add3A_865, %get3A_869 : vector<16xf32>
      %get3A_871 = arith.constant 10 : i32
      %get3A_872 = arith.index_cast %get3A_871 : i32 to index
      %get3A_873 = arith.constant 32 : index
      %get3A_874 = tpu.vector_load %arg8[%get3A_872, %get3A_873] {strides = array<i32>} : memref<16x128xf32, #tpu.memory_space<vmem>>, vector<16xf32>,
      %add3A_875 = arith.addf %add3A_870, %get3A_874 : vector<16xf32>
      %get3A_876 = arith.constant 11 : i32
      %get3A_877 = arith.index_cast %get3A_876 : i32 to index
      %get3A_878 = arith.constant 32 : index
      %get3A_879 = tpu.vector_load %arg8[%get3A_877, %get3A_878] {strides = array<i32>} : memref<16x128xf32, #tpu.memory_space<vmem>>, vector<16xf32>,
      %add3A_880 = arith.addf %add3A_875, %get3A_879 : vector<16xf32>
      %get3A_881 = arith.constant 12 : i32
      %get3A_882 = arith.index_cast %get3A_881 : i32 to index
      %get3A_883 = arith.constant 32 : index
      %get3A_884 = tpu.vector_load %arg8[%get3A_882, %get3A_883] {strides = array<i32>} : memref<16x128xf32, #tpu.memory_space<vmem>>, vector<16xf32>,
      %add3A_885 = arith.addf %add3A_880, %get3A_884 : vector<16xf32>
      %get3A_886 = arith.constant 13 : i32
      %get3A_887 = arith.index_cast %get3A_886 : i32 to index
      %get3A_888 = arith.constant 32 : index
      %get3A_889 = tpu.vector_load %arg8[%get3A_887, %get3A_888] {strides = array<i32>} : memref<16x128xf32, #tpu.memory_space<vmem>>, vector<16xf32>,
      %add3A_890 = arith.addf %add3A_885, %get3A_889 : vector<16xf32>
      %get3A_891 = arith.constant 14 : i32
      %get3A_892 = arith.index_cast %get3A_891 : i32 to index
      %get3A_893 = arith.constant 32 : index
      %get3A_894 = tpu.vector_load %arg8[%get3A_892, %get3A_893] {strides = array<i32>} : memref<16x128xf32, #tpu.memory_space<vmem>>, vector<16xf32>,
      %add3A_895 = arith.addf %add3A_890, %get3A_894 : vector<16xf32>
      %get3A_896 = arith.constant 15 : i32
      %get3A_897 = arith.index_cast %get3A_896 : i32 to index
      %get3A_898 = arith.constant 32 : index
      %get3A_899 = tpu.vector_load %arg8[%get3A_897, %get3A_898] {strides = array<i32>} : memref<16x128xf32, #tpu.memory_space<vmem>>, vector<16xf32>,
      %add3A_900 = arith.addf %add3A_895, %get3A_899 : vector<16xf32>
      %swap3A_901 = arith.constant 32 : index
      %swap3A_902 = tpu.vector_load %arg7[%swap3A_901] {strides = array<i32>} : memref<2048xf32, #tpu.memory_space<vmem>>, vector<16xf32>,
      tpu.vector_store %arg7[%swap3A_901], %add3A_900 {strides = array<i32>} : memref<2048xf32, #tpu.memory_space<vmem>>, vector<16xf32>,
      %get3A_903 = arith.constant 0 : i32
      %get3A_904 = arith.index_cast %get3A_903 : i32 to index
      %get3A_905 = arith.constant 48 : index
      %get3A_906 = tpu.vector_load %arg8[%get3A_904, %get3A_905] {strides = array<i32>} : memref<16x128xf32, #tpu.memory_space<vmem>>, vector<16xf32>,
      %get3A_907 = arith.constant 1 : i32
      %get3A_908 = arith.index_cast %get3A_907 : i32 to index
      %get3A_909 = arith.constant 48 : index
      %get3A_910 = tpu.vector_load %arg8[%get3A_908, %get3A_909] {strides = array<i32>} : memref<16x128xf32, #tpu.memory_space<vmem>>, vector<16xf32>,
      %add3A_911 = arith.addf %get3A_906, %get3A_910 : vector<16xf32>
      %get3A_912 = arith.constant 2 : i32
      %get3A_913 = arith.index_cast %get3A_912 : i32 to index
      %get3A_914 = arith.constant 48 : index
      %get3A_915 = tpu.vector_load %arg8[%get3A_913, %get3A_914] {strides = array<i32>} : memref<16x128xf32, #tpu.memory_space<vmem>>, vector<16xf32>,
      %add3A_916 = arith.addf %add3A_911, %get3A_915 : vector<16xf32>
      %get3A_917 = arith.constant 3 : i32
      %get3A_918 = arith.index_cast %get3A_917 : i32 to index
      %get3A_919 = arith.constant 48 : index
      %get3A_920 = tpu.vector_load %arg8[%get3A_918, %get3A_919] {strides = array<i32>} : memref<16x128xf32, #tpu.memory_space<vmem>>, vector<16xf32>,
      %add3A_921 = arith.addf %add3A_916, %get3A_920 : vector<16xf32>
      %get3A_922 = arith.constant 4 : i32
      %get3A_923 = arith.index_cast %get3A_922 : i32 to index
      %get3A_924 = arith.constant 48 : index
      %get3A_925 = tpu.vector_load %arg8[%get3A_923, %get3A_924] {strides = array<i32>} : memref<16x128xf32, #tpu.memory_space<vmem>>, vector<16xf32>,
      %add3A_926 = arith.addf %add3A_921, %get3A_925 : vector<16xf32>
      %get3A_927 = arith.constant 5 : i32
      %get3A_928 = arith.index_cast %get3A_927 : i32 to index
      %get3A_929 = arith.constant 48 : index
      %get3A_930 = tpu.vector_load %arg8[%get3A_928, %get3A_929] {strides = array<i32>} : memref<16x128xf32, #tpu.memory_space<vmem>>, vector<16xf32>,
      %add3A_931 = arith.addf %add3A_926, %get3A_930 : vector<16xf32>
      %get3A_932 = arith.constant 6 : i32
      %get3A_933 = arith.index_cast %get3A_932 : i32 to index
      %get3A_934 = arith.constant 48 : index
      %get3A_935 = tpu.vector_load %arg8[%get3A_933, %get3A_934] {strides = array<i32>} : memref<16x128xf32, #tpu.memory_space<vmem>>, vector<16xf32>,
      %add3A_936 = arith.addf %add3A_931, %get3A_935 : vector<16xf32>
      %get3A_937 = arith.constant 7 : i32
      %get3A_938 = arith.index_cast %get3A_937 : i32 to index
      %get3A_939 = arith.constant 48 : index
      %get3A_940 = tpu.vector_load %arg8[%get3A_938, %get3A_939] {strides = array<i32>} : memref<16x128xf32, #tpu.memory_space<vmem>>, vector<16xf32>,
      %add3A_941 = arith.addf %add3A_936, %get3A_940 : vector<16xf32>
      %get3A_942 = arith.constant 8 : i32
      %get3A_943 = arith.index_cast %get3A_942 : i32 to index
      %get3A_944 = arith.constant 48 : index
      %get3A_945 = tpu.vector_load %arg8[%get3A_943, %get3A_944] {strides = array<i32>} : memref<16x128xf32, #tpu.memory_space<vmem>>, vector<16xf32>,
      %add3A_946 = arith.addf %add3A_941, %get3A_945 : vector<16xf32>
      %get3A_947 = arith.constant 9 : i32
      %get3A_948 = arith.index_cast %get3A_947 : i32 to index
      %get3A_949 = arith.constant 48 : index
      %get3A_950 = tpu.vector_load %arg8[%get3A_948, %get3A_949] {strides = array<i32>} : memref<16x128xf32, #tpu.memory_space<vmem>>, vector<16xf32>,
      %add3A_951 = arith.addf %add3A_946, %get3A_950 : vector<16xf32>
      %get3A_952 = arith.constant 10 : i32
      %get3A_953 = arith.index_cast %get3A_952 : i32 to index
      %get3A_954 = arith.constant 48 : index
      %get3A_955 = tpu.vector_load %arg8[%get3A_953, %get3A_954] {strides = array<i32>} : memref<16x128xf32, #tpu.memory_space<vmem>>, vector<16xf32>,
      %add3A_956 = arith.addf %add3A_951, %get3A_955 : vector<16xf32>
      %get3A_957 = arith.constant 11 : i32
      %get3A_958 = arith.index_cast %get3A_957 : i32 to index
      %get3A_959 = arith.constant 48 : index
      %get3A_960 = tpu.vector_load %arg8[%get3A_958, %get3A_959] {strides = array<i32>} : memref<16x128xf32, #tpu.memory_space<vmem>>, vector<16xf32>,
      %add3A_961 = arith.addf %add3A_956, %get3A_960 : vector<16xf32>
      %get3A_962 = arith.constant 12 : i32
      %get3A_963 = arith.index_cast %get3A_962 : i32 to index
      %get3A_964 = arith.constant 48 : index
      %get3A_965 = tpu.vector_load %arg8[%get3A_963, %get3A_964] {strides = array<i32>} : memref<16x128xf32, #tpu.memory_space<vmem>>, vector<16xf32>,
      %add3A_966 = arith.addf %add3A_961, %get3A_965 : vector<16xf32>
      %get3A_967 = arith.constant 13 : i32
      %get3A_968 = arith.index_cast %get3A_967 : i32 to index
      %get3A_969 = arith.constant 48 : index
      %get3A_970 = tpu.vector_load %arg8[%get3A_968, %get3A_969] {strides = array<i32>} : memref<16x128xf32, #tpu.memory_space<vmem>>, vector<16xf32>,
      %add3A_971 = arith.addf %add3A_966, %get3A_970 : vector<16xf32>
      %get3A_972 = arith.constant 14 : i32
      %get3A_973 = arith.index_cast %get3A_972 : i32 to index
      %get3A_974 = arith.constant 48 : index
      %get3A_975 = tpu.vector_load %arg8[%get3A_973, %get3A_974] {strides = array<i32>} : memref<16x128xf32, #tpu.memory_space<vmem>>, vector<16xf32>,
      %add3A_976 = arith.addf %add3A_971, %get3A_975 : vector<16xf32>
      %get3A_977 = arith.constant 15 : i32
      %get3A_978 = arith.index_cast %get3A_977 : i32 to index
      %get3A_979 = arith.constant 48 : index
      %get3A_980 = tpu.vector_load %arg8[%get3A_978, %get3A_979] {strides = array<i32>} : memref<16x128xf32, #tpu.memory_space<vmem>>, vector<16xf32>,
      %add3A_981 = arith.addf %add3A_976, %get3A_980 : vector<16xf32>
      %swap3A_982 = arith.constant 48 : index
      %swap3A_983 = tpu.vector_load %arg7[%swap3A_982] {strides = array<i32>} : memref<2048xf32, #tpu.memory_space<vmem>>, vector<16xf32>,
      tpu.vector_store %arg7[%swap3A_982], %add3A_981 {strides = array<i32>} : memref<2048xf32, #tpu.memory_space<vmem>>, vector<16xf32>,
      %get3A_984 = arith.constant 0 : i32
      %get3A_985 = arith.index_cast %get3A_984 : i32 to index
      %get3A_986 = arith.constant 64 : index
      %get3A_987 = tpu.vector_load %arg8[%get3A_985, %get3A_986] {strides = array<i32>} : memref<16x128xf32, #tpu.memory_space<vmem>>, vector<16xf32>,
      %get3A_988 = arith.constant 1 : i32
      %get3A_989 = arith.index_cast %get3A_988 : i32 to index
      %get3A_990 = arith.constant 64 : index
      %get3A_991 = tpu.vector_load %arg8[%get3A_989, %get3A_990] {strides = array<i32>} : memref<16x128xf32, #tpu.memory_space<vmem>>, vector<16xf32>,
      %add3A_992 = arith.addf %get3A_987, %get3A_991 : vector<16xf32>
      %get3A_993 = arith.constant 2 : i32
      %get3A_994 = arith.index_cast %get3A_993 : i32 to index
      %get3A_995 = arith.constant 64 : index
      %get3A_996 = tpu.vector_load %arg8[%get3A_994, %get3A_995] {strides = array<i32>} : memref<16x128xf32, #tpu.memory_space<vmem>>, vector<16xf32>,
      %add3A_997 = arith.addf %add3A_992, %get3A_996 : vector<16xf32>
      %get3A_998 = arith.constant 3 : i32
      %get3A_999 = arith.index_cast %get3A_998 : i32 to index
      %get3A_1000 = arith.constant 64 : index
      %get3A_1001 = tpu.vector_load %arg8[%get3A_999, %get3A_1000] {strides = array<i32>} : memref<16x128xf32, #tpu.memory_space<vmem>>, vector<16xf32>,
      %add3A_1002 = arith.addf %add3A_997, %get3A_1001 : vector<16xf32>
      %get3A_1003 = arith.constant 4 : i32
      %get3A_1004 = arith.index_cast %get3A_1003 : i32 to index
      %get3A_1005 = arith.constant 64 : index
      %get3A_1006 = tpu.vector_load %arg8[%get3A_1004, %get3A_1005] {strides = array<i32>} : memref<16x128xf32, #tpu.memory_space<vmem>>, vector<16xf32>,
      %add3A_1007 = arith.addf %add3A_1002, %get3A_1006 : vector<16xf32>
      %get3A_1008 = arith.constant 5 : i32
      %get3A_1009 = arith.index_cast %get3A_1008 : i32 to index
      %get3A_1010 = arith.constant 64 : index
      %get3A_1011 = tpu.vector_load %arg8[%get3A_1009, %get3A_1010] {strides = array<i32>} : memref<16x128xf32, #tpu.memory_space<vmem>>, vector<16xf32>,
      %add3A_1012 = arith.addf %add3A_1007, %get3A_1011 : vector<16xf32>
      %get3A_1013 = arith.constant 6 : i32
      %get3A_1014 = arith.index_cast %get3A_1013 : i32 to index
      %get3A_1015 = arith.constant 64 : index
      %get3A_1016 = tpu.vector_load %arg8[%get3A_1014, %get3A_1015] {strides = array<i32>} : memref<16x128xf32, #tpu.memory_space<vmem>>, vector<16xf32>,
      %add3A_1017 = arith.addf %add3A_1012, %get3A_1016 : vector<16xf32>
      %get3A_1018 = arith.constant 7 : i32
      %get3A_1019 = arith.index_cast %get3A_1018 : i32 to index
      %get3A_1020 = arith.constant 64 : index
      %get3A_1021 = tpu.vector_load %arg8[%get3A_1019, %get3A_1020] {strides = array<i32>} : memref<16x128xf32, #tpu.memory_space<vmem>>, vector<16xf32>,
      %add3A_1022 = arith.addf %add3A_1017, %get3A_1021 : vector<16xf32>
      %get3A_1023 = arith.constant 8 : i32
      %get3A_1024 = arith.index_cast %get3A_1023 : i32 to index
      %get3A_1025 = arith.constant 64 : index
      %get3A_1026 = tpu.vector_load %arg8[%get3A_1024, %get3A_1025] {strides = array<i32>} : memref<16x128xf32, #tpu.memory_space<vmem>>, vector<16xf32>,
      %add3A_1027 = arith.addf %add3A_1022, %get3A_1026 : vector<16xf32>
      %get3A_1028 = arith.constant 9 : i32
      %get3A_1029 = arith.index_cast %get3A_1028 : i32 to index
      %get3A_1030 = arith.constant 64 : index
      %get3A_1031 = tpu.vector_load %arg8[%get3A_1029, %get3A_1030] {strides = array<i32>} : memref<16x128xf32, #tpu.memory_space<vmem>>, vector<16xf32>,
      %add3A_1032 = arith.addf %add3A_1027, %get3A_1031 : vector<16xf32>
      %get3A_1033 = arith.constant 10 : i32
      %get3A_1034 = arith.index_cast %get3A_1033 : i32 to index
      %get3A_1035 = arith.constant 64 : index
      %get3A_1036 = tpu.vector_load %arg8[%get3A_1034, %get3A_1035] {strides = array<i32>} : memref<16x128xf32, #tpu.memory_space<vmem>>, vector<16xf32>,
      %add3A_1037 = arith.addf %add3A_1032, %get3A_1036 : vector<16xf32>
      %get3A_1038 = arith.constant 11 : i32
      %get3A_1039 = arith.index_cast %get3A_1038 : i32 to index
      %get3A_1040 = arith.constant 64 : index
      %get3A_1041 = tpu.vector_load %arg8[%get3A_1039, %get3A_1040] {strides = array<i32>} : memref<16x128xf32, #tpu.memory_space<vmem>>, vector<16xf32>,
      %add3A_1042 = arith.addf %add3A_1037, %get3A_1041 : vector<16xf32>
      %get3A_1043 = arith.constant 12 : i32
      %get3A_1044 = arith.index_cast %get3A_1043 : i32 to index
      %get3A_1045 = arith.constant 64 : index
      %get3A_1046 = tpu.vector_load %arg8[%get3A_1044, %get3A_1045] {strides = array<i32>} : memref<16x128xf32, #tpu.memory_space<vmem>>, vector<16xf32>,
      %add3A_1047 = arith.addf %add3A_1042, %get3A_1046 : vector<16xf32>
      %get3A_1048 = arith.constant 13 : i32
      %get3A_1049 = arith.index_cast %get3A_1048 : i32 to index
      %get3A_1050 = arith.constant 64 : index
      %get3A_1051 = tpu.vector_load %arg8[%get3A_1049, %get3A_1050] {strides = array<i32>} : memref<16x128xf32, #tpu.memory_space<vmem>>, vector<16xf32>,
      %add3A_1052 = arith.addf %add3A_1047, %get3A_1051 : vector<16xf32>
      %get3A_1053 = arith.constant 14 : i32
      %get3A_1054 = arith.index_cast %get3A_1053 : i32 to index
      %get3A_1055 = arith.constant 64 : index
      %get3A_1056 = tpu.vector_load %arg8[%get3A_1054, %get3A_1055] {strides = array<i32>} : memref<16x128xf32, #tpu.memory_space<vmem>>, vector<16xf32>,
      %add3A_1057 = arith.addf %add3A_1052, %get3A_1056 : vector<16xf32>
      %get3A_1058 = arith.constant 15 : i32
      %get3A_1059 = arith.index_cast %get3A_1058 : i32 to index
      %get3A_1060 = arith.constant 64 : index
      %get3A_1061 = tpu.vector_load %arg8[%get3A_1059, %get3A_1060] {strides = array<i32>} : memref<16x128xf32, #tpu.memory_space<vmem>>, vector<16xf32>,
      %add3A_1062 = arith.addf %add3A_1057, %get3A_1061 : vector<16xf32>
      %swap3A_1063 = arith.constant 64 : index
      %swap3A_1064 = tpu.vector_load %arg7[%swap3A_1063] {strides = array<i32>} : memref<2048xf32, #tpu.memory_space<vmem>>, vector<16xf32>,
      tpu.vector_store %arg7[%swap3A_1063], %add3A_1062 {strides = array<i32>} : memref<2048xf32, #tpu.memory_space<vmem>>, vector<16xf32>,
      %get3A_1065 = arith.constant 0 : i32
      %get3A_1066 = arith.index_cast %get3A_1065 : i32 to index
      %get3A_1067 = arith.constant 80 : index
      %get3A_1068 = tpu.vector_load %arg8[%get3A_1066, %get3A_1067] {strides = array<i32>} : memref<16x128xf32, #tpu.memory_space<vmem>>, vector<16xf32>,
      %get3A_1069 = arith.constant 1 : i32
      %get3A_1070 = arith.index_cast %get3A_1069 : i32 to index
      %get3A_1071 = arith.constant 80 : index
      %get3A_1072 = tpu.vector_load %arg8[%get3A_1070, %get3A_1071] {strides = array<i32>} : memref<16x128xf32, #tpu.memory_space<vmem>>, vector<16xf32>,
      %add3A_1073 = arith.addf %get3A_1068, %get3A_1072 : vector<16xf32>
      %get3A_1074 = arith.constant 2 : i32
      %get3A_1075 = arith.index_cast %get3A_1074 : i32 to index
      %get3A_1076 = arith.constant 80 : index
      %get3A_1077 = tpu.vector_load %arg8[%get3A_1075, %get3A_1076] {strides = array<i32>} : memref<16x128xf32, #tpu.memory_space<vmem>>, vector<16xf32>,
      %add3A_1078 = arith.addf %add3A_1073, %get3A_1077 : vector<16xf32>
      %get3A_1079 = arith.constant 3 : i32
      %get3A_1080 = arith.index_cast %get3A_1079 : i32 to index
      %get3A_1081 = arith.constant 80 : index
      %get3A_1082 = tpu.vector_load %arg8[%get3A_1080, %get3A_1081] {strides = array<i32>} : memref<16x128xf32, #tpu.memory_space<vmem>>, vector<16xf32>,
      %add3A_1083 = arith.addf %add3A_1078, %get3A_1082 : vector<16xf32>
      %get3A_1084 = arith.constant 4 : i32
      %get3A_1085 = arith.index_cast %get3A_1084 : i32 to index
      %get3A_1086 = arith.constant 80 : index
      %get3A_1087 = tpu.vector_load %arg8[%get3A_1085, %get3A_1086] {strides = array<i32>} : memref<16x128xf32, #tpu.memory_space<vmem>>, vector<16xf32>,
      %add3A_1088 = arith.addf %add3A_1083, %get3A_1087 : vector<16xf32>
      %get3A_1089 = arith.constant 5 : i32
      %get3A_1090 = arith.index_cast %get3A_1089 : i32 to index
      %get3A_1091 = arith.constant 80 : index
      %get3A_1092 = tpu.vector_load %arg8[%get3A_1090, %get3A_1091] {strides = array<i32>} : memref<16x128xf32, #tpu.memory_space<vmem>>, vector<16xf32>,
      %add3A_1093 = arith.addf %add3A_1088, %get3A_1092 : vector<16xf32>
      %get3A_1094 = arith.constant 6 : i32
      %get3A_1095 = arith.index_cast %get3A_1094 : i32 to index
      %get3A_1096 = arith.constant 80 : index
      %get3A_1097 = tpu.vector_load %arg8[%get3A_1095, %get3A_1096] {strides = array<i32>} : memref<16x128xf32, #tpu.memory_space<vmem>>, vector<16xf32>,
      %add3A_1098 = arith.addf %add3A_1093, %get3A_1097 : vector<16xf32>
      %get3A_1099 = arith.constant 7 : i32
      %get3A_1100 = arith.index_cast %get3A_1099 : i32 to index
      %get3A_1101 = arith.constant 80 : index
      %get3A_1102 = tpu.vector_load %arg8[%get3A_1100, %get3A_1101] {strides = array<i32>} : memref<16x128xf32, #tpu.memory_space<vmem>>, vector<16xf32>,
      %add3A_1103 = arith.addf %add3A_1098, %get3A_1102 : vector<16xf32>
      %get3A_1104 = arith.constant 8 : i32
      %get3A_1105 = arith.index_cast %get3A_1104 : i32 to index
      %get3A_1106 = arith.constant 80 : index
      %get3A_1107 = tpu.vector_load %arg8[%get3A_1105, %get3A_1106] {strides = array<i32>} : memref<16x128xf32, #tpu.memory_space<vmem>>, vector<16xf32>,
      %add3A_1108 = arith.addf %add3A_1103, %get3A_1107 : vector<16xf32>
      %get3A_1109 = arith.constant 9 : i32
      %get3A_1110 = arith.index_cast %get3A_1109 : i32 to index
      %get3A_1111 = arith.constant 80 : index
      %get3A_1112 = tpu.vector_load %arg8[%get3A_1110, %get3A_1111] {strides = array<i32>} : memref<16x128xf32, #tpu.memory_space<vmem>>, vector<16xf32>,
      %add3A_1113 = arith.addf %add3A_1108, %get3A_1112 : vector<16xf32>
      %get3A_1114 = arith.constant 10 : i32
      %get3A_1115 = arith.index_cast %get3A_1114 : i32 to index
      %get3A_1116 = arith.constant 80 : index
      %get3A_1117 = tpu.vector_load %arg8[%get3A_1115, %get3A_1116] {strides = array<i32>} : memref<16x128xf32, #tpu.memory_space<vmem>>, vector<16xf32>,
      %add3A_1118 = arith.addf %add3A_1113, %get3A_1117 : vector<16xf32>
      %get3A_1119 = arith.constant 11 : i32
      %get3A_1120 = arith.index_cast %get3A_1119 : i32 to index
      %get3A_1121 = arith.constant 80 : index
      %get3A_1122 = tpu.vector_load %arg8[%get3A_1120, %get3A_1121] {strides = array<i32>} : memref<16x128xf32, #tpu.memory_space<vmem>>, vector<16xf32>,
      %add3A_1123 = arith.addf %add3A_1118, %get3A_1122 : vector<16xf32>
      %get3A_1124 = arith.constant 12 : i32
      %get3A_1125 = arith.index_cast %get3A_1124 : i32 to index
      %get3A_1126 = arith.constant 80 : index
      %get3A_1127 = tpu.vector_load %arg8[%get3A_1125, %get3A_1126] {strides = array<i32>} : memref<16x128xf32, #tpu.memory_space<vmem>>, vector<16xf32>,
      %add3A_1128 = arith.addf %add3A_1123, %get3A_1127 : vector<16xf32>
      %get3A_1129 = arith.constant 13 : i32
      %get3A_1130 = arith.index_cast %get3A_1129 : i32 to index
      %get3A_1131 = arith.constant 80 : index
      %get3A_1132 = tpu.vector_load %arg8[%get3A_1130, %get3A_1131] {strides = array<i32>} : memref<16x128xf32, #tpu.memory_space<vmem>>, vector<16xf32>,
      %add3A_1133 = arith.addf %add3A_1128, %get3A_1132 : vector<16xf32>
      %get3A_1134 = arith.constant 14 : i32
      %get3A_1135 = arith.index_cast %get3A_1134 : i32 to index
      %get3A_1136 = arith.constant 80 : index
      %get3A_1137 = tpu.vector_load %arg8[%get3A_1135, %get3A_1136] {strides = array<i32>} : memref<16x128xf32, #tpu.memory_space<vmem>>, vector<16xf32>,
      %add3A_1138 = arith.addf %add3A_1133, %get3A_1137 : vector<16xf32>
      %get3A_1139 = arith.constant 15 : i32
      %get3A_1140 = arith.index_cast %get3A_1139 : i32 to index
      %get3A_1141 = arith.constant 80 : index
      %get3A_1142 = tpu.vector_load %arg8[%get3A_1140, %get3A_1141] {strides = array<i32>} : memref<16x128xf32, #tpu.memory_space<vmem>>, vector<16xf32>,
      %add3A_1143 = arith.addf %add3A_1138, %get3A_1142 : vector<16xf32>
      %swap3A_1144 = arith.constant 80 : index
      %swap3A_1145 = tpu.vector_load %arg7[%swap3A_1144] {strides = array<i32>} : memref<2048xf32, #tpu.memory_space<vmem>>, vector<16xf32>,
      tpu.vector_store %arg7[%swap3A_1144], %add3A_1143 {strides = array<i32>} : memref<2048xf32, #tpu.memory_space<vmem>>, vector<16xf32>,
      %get3A_1146 = arith.constant 0 : i32
      %get3A_1147 = arith.index_cast %get3A_1146 : i32 to index
      %get3A_1148 = arith.constant 96 : index
      %get3A_1149 = tpu.vector_load %arg8[%get3A_1147, %get3A_1148] {strides = array<i32>} : memref<16x128xf32, #tpu.memory_space<vmem>>, vector<16xf32>,
      %get3A_1150 = arith.constant 1 : i32
      %get3A_1151 = arith.index_cast %get3A_1150 : i32 to index
      %get3A_1152 = arith.constant 96 : index
      %get3A_1153 = tpu.vector_load %arg8[%get3A_1151, %get3A_1152] {strides = array<i32>} : memref<16x128xf32, #tpu.memory_space<vmem>>, vector<16xf32>,
      %add3A_1154 = arith.addf %get3A_1149, %get3A_1153 : vector<16xf32>
      %get3A_1155 = arith.constant 2 : i32
      %get3A_1156 = arith.index_cast %get3A_1155 : i32 to index
      %get3A_1157 = arith.constant 96 : index
      %get3A_1158 = tpu.vector_load %arg8[%get3A_1156, %get3A_1157] {strides = array<i32>} : memref<16x128xf32, #tpu.memory_space<vmem>>, vector<16xf32>,
      %add3A_1159 = arith.addf %add3A_1154, %get3A_1158 : vector<16xf32>
      %get3A_1160 = arith.constant 3 : i32
      %get3A_1161 = arith.index_cast %get3A_1160 : i32 to index
      %get3A_1162 = arith.constant 96 : index
      %get3A_1163 = tpu.vector_load %arg8[%get3A_1161, %get3A_1162] {strides = array<i32>} : memref<16x128xf32, #tpu.memory_space<vmem>>, vector<16xf32>,
      %add3A_1164 = arith.addf %add3A_1159, %get3A_1163 : vector<16xf32>
      %get3A_1165 = arith.constant 4 : i32
      %get3A_1166 = arith.index_cast %get3A_1165 : i32 to index
      %get3A_1167 = arith.constant 96 : index
      %get3A_1168 = tpu.vector_load %arg8[%get3A_1166, %get3A_1167] {strides = array<i32>} : memref<16x128xf32, #tpu.memory_space<vmem>>, vector<16xf32>,
      %add3A_1169 = arith.addf %add3A_1164, %get3A_1168 : vector<16xf32>
      %get3A_1170 = arith.constant 5 : i32
      %get3A_1171 = arith.index_cast %get3A_1170 : i32 to index
      %get3A_1172 = arith.constant 96 : index
      %get3A_1173 = tpu.vector_load %arg8[%get3A_1171, %get3A_1172] {strides = array<i32>} : memref<16x128xf32, #tpu.memory_space<vmem>>, vector<16xf32>,
      %add3A_1174 = arith.addf %add3A_1169, %get3A_1173 : vector<16xf32>
      %get3A_1175 = arith.constant 6 : i32
      %get3A_1176 = arith.index_cast %get3A_1175 : i32 to index
      %get3A_1177 = arith.constant 96 : index
      %get3A_1178 = tpu.vector_load %arg8[%get3A_1176, %get3A_1177] {strides = array<i32>} : memref<16x128xf32, #tpu.memory_space<vmem>>, vector<16xf32>,
      %add3A_1179 = arith.addf %add3A_1174, %get3A_1178 : vector<16xf32>
      %get3A_1180 = arith.constant 7 : i32
      %get3A_1181 = arith.index_cast %get3A_1180 : i32 to index
      %get3A_1182 = arith.constant 96 : index
      %get3A_1183 = tpu.vector_load %arg8[%get3A_1181, %get3A_1182] {strides = array<i32>} : memref<16x128xf32, #tpu.memory_space<vmem>>, vector<16xf32>,
      %add3A_1184 = arith.addf %add3A_1179, %get3A_1183 : vector<16xf32>
      %get3A_1185 = arith.constant 8 : i32
      %get3A_1186 = arith.index_cast %get3A_1185 : i32 to index
      %get3A_1187 = arith.constant 96 : index
      %get3A_1188 = tpu.vector_load %arg8[%get3A_1186, %get3A_1187] {strides = array<i32>} : memref<16x128xf32, #tpu.memory_space<vmem>>, vector<16xf32>,
      %add3A_1189 = arith.addf %add3A_1184, %get3A_1188 : vector<16xf32>
      %get3A_1190 = arith.constant 9 : i32
      %get3A_1191 = arith.index_cast %get3A_1190 : i32 to index
      %get3A_1192 = arith.constant 96 : index
      %get3A_1193 = tpu.vector_load %arg8[%get3A_1191, %get3A_1192] {strides = array<i32>} : memref<16x128xf32, #tpu.memory_space<vmem>>, vector<16xf32>,
      %add3A_1194 = arith.addf %add3A_1189, %get3A_1193 : vector<16xf32>
      %get3A_1195 = arith.constant 10 : i32
      %get3A_1196 = arith.index_cast %get3A_1195 : i32 to index
      %get3A_1197 = arith.constant 96 : index
      %get3A_1198 = tpu.vector_load %arg8[%get3A_1196, %get3A_1197] {strides = array<i32>} : memref<16x128xf32, #tpu.memory_space<vmem>>, vector<16xf32>,
      %add3A_1199 = arith.addf %add3A_1194, %get3A_1198 : vector<16xf32>
      %get3A_1200 = arith.constant 11 : i32
      %get3A_1201 = arith.index_cast %get3A_1200 : i32 to index
      %get3A_1202 = arith.constant 96 : index
      %get3A_1203 = tpu.vector_load %arg8[%get3A_1201, %get3A_1202] {strides = array<i32>} : memref<16x128xf32, #tpu.memory_space<vmem>>, vector<16xf32>,
      %add3A_1204 = arith.addf %add3A_1199, %get3A_1203 : vector<16xf32>
      %get3A_1205 = arith.constant 12 : i32
      %get3A_1206 = arith.index_cast %get3A_1205 : i32 to index
      %get3A_1207 = arith.constant 96 : index
      %get3A_1208 = tpu.vector_load %arg8[%get3A_1206, %get3A_1207] {strides = array<i32>} : memref<16x128xf32, #tpu.memory_space<vmem>>, vector<16xf32>,
      %add3A_1209 = arith.addf %add3A_1204, %get3A_1208 : vector<16xf32>
      %get3A_1210 = arith.constant 13 : i32
      %get3A_1211 = arith.index_cast %get3A_1210 : i32 to index
      %get3A_1212 = arith.constant 96 : index
      %get3A_1213 = tpu.vector_load %arg8[%get3A_1211, %get3A_1212] {strides = array<i32>} : memref<16x128xf32, #tpu.memory_space<vmem>>, vector<16xf32>,
      %add3A_1214 = arith.addf %add3A_1209, %get3A_1213 : vector<16xf32>
      %get3A_1215 = arith.constant 14 : i32
      %get3A_1216 = arith.index_cast %get3A_1215 : i32 to index
      %get3A_1217 = arith.constant 96 : index
      %get3A_1218 = tpu.vector_load %arg8[%get3A_1216, %get3A_1217] {strides = array<i32>} : memref<16x128xf32, #tpu.memory_space<vmem>>, vector<16xf32>,
      %add3A_1219 = arith.addf %add3A_1214, %get3A_1218 : vector<16xf32>
      %get3A_1220 = arith.constant 15 : i32
      %get3A_1221 = arith.index_cast %get3A_1220 : i32 to index
      %get3A_1222 = arith.constant 96 : index
      %get3A_1223 = tpu.vector_load %arg8[%get3A_1221, %get3A_1222] {strides = array<i32>} : memref<16x128xf32, #tpu.memory_space<vmem>>, vector<16xf32>,
      %add3A_1224 = arith.addf %add3A_1219, %get3A_1223 : vector<16xf32>
      %swap3A_1225 = arith.constant 96 : index
      %swap3A_1226 = tpu.vector_load %arg7[%swap3A_1225] {strides = array<i32>} : memref<2048xf32, #tpu.memory_space<vmem>>, vector<16xf32>,
      tpu.vector_store %arg7[%swap3A_1225], %add3A_1224 {strides = array<i32>} : memref<2048xf32, #tpu.memory_space<vmem>>, vector<16xf32>,
      %get3A_1227 = arith.constant 0 : i32
      %get3A_1228 = arith.index_cast %get3A_1227 : i32 to index
      %get3A_1229 = arith.constant 112 : index
      %get3A_1230 = tpu.vector_load %arg8[%get3A_1228, %get3A_1229] {strides = array<i32>} : memref<16x128xf32, #tpu.memory_space<vmem>>, vector<16xf32>,
      %get3A_1231 = arith.constant 1 : i32
      %get3A_1232 = arith.index_cast %get3A_1231 : i32 to index
      %get3A_1233 = arith.constant 112 : index
      %get3A_1234 = tpu.vector_load %arg8[%get3A_1232, %get3A_1233] {strides = array<i32>} : memref<16x128xf32, #tpu.memory_space<vmem>>, vector<16xf32>,
      %add3A_1235 = arith.addf %get3A_1230, %get3A_1234 : vector<16xf32>
      %get3A_1236 = arith.constant 2 : i32
      %get3A_1237 = arith.index_cast %get3A_1236 : i32 to index
      %get3A_1238 = arith.constant 112 : index
      %get3A_1239 = tpu.vector_load %arg8[%get3A_1237, %get3A_1238] {strides = array<i32>} : memref<16x128xf32, #tpu.memory_space<vmem>>, vector<16xf32>,
      %add3A_1240 = arith.addf %add3A_1235, %get3A_1239 : vector<16xf32>
      %get3A_1241 = arith.constant 3 : i32
      %get3A_1242 = arith.index_cast %get3A_1241 : i32 to index
      %get3A_1243 = arith.constant 112 : index
      %get3A_1244 = tpu.vector_load %arg8[%get3A_1242, %get3A_1243] {strides = array<i32>} : memref<16x128xf32, #tpu.memory_space<vmem>>, vector<16xf32>,
      %add3A_1245 = arith.addf %add3A_1240, %get3A_1244 : vector<16xf32>
      %get3A_1246 = arith.constant 4 : i32
      %get3A_1247 = arith.index_cast %get3A_1246 : i32 to index
      %get3A_1248 = arith.constant 112 : index
      %get3A_1249 = tpu.vector_load %arg8[%get3A_1247, %get3A_1248] {strides = array<i32>} : memref<16x128xf32, #tpu.memory_space<vmem>>, vector<16xf32>,
      %add3A_1250 = arith.addf %add3A_1245, %get3A_1249 : vector<16xf32>
      %get3A_1251 = arith.constant 5 : i32
      %get3A_1252 = arith.index_cast %get3A_1251 : i32 to index
      %get3A_1253 = arith.constant 112 : index
      %get3A_1254 = tpu.vector_load %arg8[%get3A_1252, %get3A_1253] {strides = array<i32>} : memref<16x128xf32, #tpu.memory_space<vmem>>, vector<16xf32>,
      %add3A_1255 = arith.addf %add3A_1250, %get3A_1254 : vector<16xf32>
      %get3A_1256 = arith.constant 6 : i32
      %get3A_1257 = arith.index_cast %get3A_1256 : i32 to index
      %get3A_1258 = arith.constant 112 : index
      %get3A_1259 = tpu.vector_load %arg8[%get3A_1257, %get3A_1258] {strides = array<i32>} : memref<16x128xf32, #tpu.memory_space<vmem>>, vector<16xf32>,
      %add3A_1260 = arith.addf %add3A_1255, %get3A_1259 : vector<16xf32>
      %get3A_1261 = arith.constant 7 : i32
      %get3A_1262 = arith.index_cast %get3A_1261 : i32 to index
      %get3A_1263 = arith.constant 112 : index
      %get3A_1264 = tpu.vector_load %arg8[%get3A_1262, %get3A_1263] {strides = array<i32>} : memref<16x128xf32, #tpu.memory_space<vmem>>, vector<16xf32>,
      %add3A_1265 = arith.addf %add3A_1260, %get3A_1264 : vector<16xf32>
      %get3A_1266 = arith.constant 8 : i32
      %get3A_1267 = arith.index_cast %get3A_1266 : i32 to index
      %get3A_1268 = arith.constant 112 : index
      %get3A_1269 = tpu.vector_load %arg8[%get3A_1267, %get3A_1268] {strides = array<i32>} : memref<16x128xf32, #tpu.memory_space<vmem>>, vector<16xf32>,
      %add3A_1270 = arith.addf %add3A_1265, %get3A_1269 : vector<16xf32>
      %get3A_1271 = arith.constant 9 : i32
      %get3A_1272 = arith.index_cast %get3A_1271 : i32 to index
      %get3A_1273 = arith.constant 112 : index
      %get3A_1274 = tpu.vector_load %arg8[%get3A_1272, %get3A_1273] {strides = array<i32>} : memref<16x128xf32, #tpu.memory_space<vmem>>, vector<16xf32>,
      %add3A_1275 = arith.addf %add3A_1270, %get3A_1274 : vector<16xf32>
      %get3A_1276 = arith.constant 10 : i32
      %get3A_1277 = arith.index_cast %get3A_1276 : i32 to index
      %get3A_1278 = arith.constant 112 : index
      %get3A_1279 = tpu.vector_load %arg8[%get3A_1277, %get3A_1278] {strides = array<i32>} : memref<16x128xf32, #tpu.memory_space<vmem>>, vector<16xf32>,
      %add3A_1280 = arith.addf %add3A_1275, %get3A_1279 : vector<16xf32>
      %get3A_1281 = arith.constant 11 : i32
      %get3A_1282 = arith.index_cast %get3A_1281 : i32 to index
      %get3A_1283 = arith.constant 112 : index
      %get3A_1284 = tpu.vector_load %arg8[%get3A_1282, %get3A_1283] {strides = array<i32>} : memref<16x128xf32, #tpu.memory_space<vmem>>, vector<16xf32>,
      %add3A_1285 = arith.addf %add3A_1280, %get3A_1284 : vector<16xf32>
      %get3A_1286 = arith.constant 12 : i32
      %get3A_1287 = arith.index_cast %get3A_1286 : i32 to index
      %get3A_1288 = arith.constant 112 : index
      %get3A_1289 = tpu.vector_load %arg8[%get3A_1287, %get3A_1288] {strides = array<i32>} : memref<16x128xf32, #tpu.memory_space<vmem>>, vector<16xf32>,
      %add3A_1290 = arith.addf %add3A_1285, %get3A_1289 : vector<16xf32>
      %get3A_1291 = arith.constant 13 : i32
      %get3A_1292 = arith.index_cast %get3A_1291 : i32 to index
      %get3A_1293 = arith.constant 112 : index
      %get3A_1294 = tpu.vector_load %arg8[%get3A_1292, %get3A_1293] {strides = array<i32>} : memref<16x128xf32, #tpu.memory_space<vmem>>, vector<16xf32>,
      %add3A_1295 = arith.addf %add3A_1290, %get3A_1294 : vector<16xf32>
      %get3A_1296 = arith.constant 14 : i32
      %get3A_1297 = arith.index_cast %get3A_1296 : i32 to index
      %get3A_1298 = arith.constant 112 : index
      %get3A_1299 = tpu.vector_load %arg8[%get3A_1297, %get3A_1298] {strides = array<i32>} : memref<16x128xf32, #tpu.memory_space<vmem>>, vector<16xf32>,
      %add3A_1300 = arith.addf %add3A_1295, %get3A_1299 : vector<16xf32>
      %get3A_1301 = arith.constant 15 : i32
      %get3A_1302 = arith.index_cast %get3A_1301 : i32 to index
      %get3A_1303 = arith.constant 112 : index
      %get3A_1304 = tpu.vector_load %arg8[%get3A_1302, %get3A_1303] {strides = array<i32>} : memref<16x128xf32, #tpu.memory_space<vmem>>, vector<16xf32>,
      %add3A_1305 = arith.addf %add3A_1300, %get3A_1304 : vector<16xf32>
      %swap3A_1306 = arith.constant 112 : index
      %swap3A_1307 = tpu.vector_load %arg7[%swap3A_1306] {strides = array<i32>} : memref<2048xf32, #tpu.memory_space<vmem>>, vector<16xf32>,
      tpu.vector_store %arg7[%swap3A_1306], %add3A_1305 {strides = array<i32>} : memref<2048xf32, #tpu.memory_space<vmem>>, vector<16xf32>,
      "tpu.region"() ({
        %run_scoped3A = tpu.sem_alloc : memref<!tpu.dma_semaphore, #tpu.memory_space<semaphore_mem>>
        %dma_start3A = arith.constant 0 : i32
        %dma_start3A_1308 = tpu.memref_slice %arg7[%dma_start3A] : memref<2048xf32, #tpu.memory_space<vmem>> -> memref<128xf32, #tpu.memory_space<vmem>>
        %dma_start3A_1309 = arith.constant 0 : i32
        %dma_start3A_1310 = tpu.memref_slice %arg4[%arg0, %dma_start3A_1309] : memref<2x128xf32, #tpu.memory_space<hbm>> -> memref<1x128xf32, #tpu.memory_space<hbm>>
        %dma_start3A_1311 = tpu.memref_squeeze %dma_start3A_1310 : memref<1x128xf32, #tpu.memory_space<hbm>> -> memref<128xf32, #tpu.memory_space<hbm>>
        %dma_start3A_1312 = arith.constant 0 : i32
        %dma_start3A_1313 = tpu.memref_slice %arg4[%arg0, %dma_start3A_1312] : memref<2x128xf32, #tpu.memory_space<hbm>> -> memref<1x128xf32, #tpu.memory_space<hbm>>
        %dma_start3A_1314 = tpu.memref_squeeze %dma_start3A_1313 : memref<1x128xf32, #tpu.memory_space<hbm>> -> memref<128xf32, #tpu.memory_space<hbm>>
        %dma_start3A_1315 = arith.constant 0 : i32
        %dma_start3A_1316 = tpu.memref_slice %arg7[%dma_start3A_1315] : memref<2048xf32, #tpu.memory_space<vmem>> -> memref<128xf32, #tpu.memory_space<vmem>>
        tpu.enqueue_dma source(%dma_start3A_1316 : memref<128xf32, #tpu.memory_space<vmem>>) target(%dma_start3A_1314 : memref<128xf32, #tpu.memory_space<hbm>>) target_semaphore(%run_scoped3A : memref<!tpu.dma_semaphore, #tpu.memory_space<semaphore_mem>>)
        %dma_wait3A = arith.constant 0 : i32
        %dma_wait3A_1317 = tpu.memref_slice %arg7[%dma_wait3A] : memref<2048xf32, #tpu.memory_space<vmem>> -> memref<128xf32, #tpu.memory_space<vmem>>
        %dma_wait3A_1318 = arith.constant 0 : i32
        %dma_wait3A_1319 = tpu.memref_slice %arg4[%arg0, %dma_wait3A_1318] : memref<2x128xf32, #tpu.memory_space<hbm>> -> memref<1x128xf32, #tpu.memory_space<hbm>>
        %dma_wait3A_1320 = tpu.memref_squeeze %dma_wait3A_1319 : memref<1x128xf32, #tpu.memory_space<hbm>> -> memref<128xf32, #tpu.memory_space<hbm>>
        %dma_wait3A_1321 = arith.constant 0 : i32
        %dma_wait3A_1322 = tpu.memref_slice %arg4[%arg0, %dma_wait3A_1321] : memref<2x128xf32, #tpu.memory_space<hbm>> -> memref<1x128xf32, #tpu.memory_space<hbm>>
        %dma_wait3A_1323 = tpu.memref_squeeze %dma_wait3A_1322 : memref<1x128xf32, #tpu.memory_space<hbm>> -> memref<128xf32, #tpu.memory_space<hbm>>
        %dma_wait3A_1324 = arith.constant 0 : i32
        %dma_wait3A_1325 = tpu.memref_slice %arg7[%dma_wait3A_1324] : memref<2048xf32, #tpu.memory_space<vmem>> -> memref<128xf32, #tpu.memory_space<vmem>>
        tpu.wait_dma2 semaphore(%run_scoped3A : memref<!tpu.dma_semaphore, #tpu.memory_space<semaphore_mem>>) src(%dma_wait3A_1325 : memref<128xf32, #tpu.memory_space<vmem>>) dst(%dma_wait3A_1323 : memref<128xf32, #tpu.memory_space<hbm>>)
        tpu.yield
      }) : () -> ()
    } else {
    }
    return
  }
}

module attributes {stable_mosaic.version = 14 : i64} {
  func.func @_agg_kernel(%arg0: i32, %arg1: memref<1x8192xi32, #tpu.memory_space<vmem>>, %arg2: memref<8x8192xf32, #tpu.memory_space<vmem>>, %arg3: memref<8192x256xf32, #tpu.memory_space<vmem>>, %arg4: memref<128x256xf32, #tpu.memory_space<vmem>>, %arg5: memref<128x1xf32, #tpu.memory_space<vmem>>) attributes {dimension_semantics = [#tpu.dimension_semantics<arbitrary>], iteration_bounds = array<i64: 4>, scalar_prefetch = 0 : i64, scratch_operands = 0 : i64, tpu.core_type = #tpu.core_type<tc>, window_params = [{transform_indices = @transform_0, window_bounds = array<i64: 1, 8192>}, {transform_indices = @transform_1, window_bounds = array<i64: 8, 8192>}, {transform_indices = @transform_2, window_bounds = array<i64: 8192, 256>}, {pipeline_mode = #tpu.pipeline_mode<synchronous>, transform_indices = @transform_3, window_bounds = array<i64: 128, 256>}, {pipeline_mode = #tpu.pipeline_mode<synchronous>, transform_indices = @transform_4, window_bounds = array<i64: 128, 1>}]} {
    %eq3A = arith.constant 0 : i32
    %eq3A_0 = arith.cmpi eq, %arg0, %eq3A : i32
    %convert_element_type3A = arith.extui %eq3A_0 : i1 to i32
    %cond3A = arith.constant 0 : i32
    %cond3A_1 = arith.cmpi ne, %convert_element_type3A, %cond3A : i32
    scf.if %cond3A_1 {
      %broadcast_in_dim3A_60 = arith.constant 0.000000e+00 : f32
      %broadcast_in_dim3A_61 = vector.broadcast %broadcast_in_dim3A_60 : f32 to vector<128x256xf32>
      %swap3A_62 = arith.constant 0 : index
      %swap3A_63 = arith.constant 0 : index
      %swap3A_64 = vector.load %arg4[%swap3A_62, %swap3A_63] : memref<128x256xf32, #tpu.memory_space<vmem>>, vector<128x256xf32>
      tpu.vector_store %arg4[%swap3A_62, %swap3A_63], %broadcast_in_dim3A_61 {strides = array<i32>} : memref<128x256xf32, #tpu.memory_space<vmem>>, vector<128x256xf32>,
      %broadcast_in_dim3A_65 = arith.constant 0.000000e+00 : f32
      %broadcast_in_dim3A_66 = vector.broadcast %broadcast_in_dim3A_65 : f32 to vector<128x1xf32>
      %swap3A_67 = arith.constant 0 : index
      %swap3A_68 = arith.constant 0 : index
      %swap3A_69 = vector.load %arg5[%swap3A_67, %swap3A_68] : memref<128x1xf32, #tpu.memory_space<vmem>>, vector<128x1xf32>
      tpu.vector_store %arg5[%swap3A_67, %swap3A_68], %broadcast_in_dim3A_66 {strides = array<i32>} : memref<128x1xf32, #tpu.memory_space<vmem>>, vector<128x1xf32>,
    } else {
    }
    %get3A = arith.constant 0 : index
    %get3A_2 = arith.constant 0 : index
    %get3A_3 = vector.load %arg1[%get3A, %get3A_2] : memref<1x8192xi32, #tpu.memory_space<vmem>>, vector<1x8192xi32>
    %get3A_4 = arith.constant 0 : index
    %get3A_5 = arith.constant 0 : index
    %get3A_6 = vector.load %arg2[%get3A_4, %get3A_5] : memref<8x8192xf32, #tpu.memory_space<vmem>>, vector<8x8192xf32>
    %get3A_7 = arith.constant 0 : index
    %get3A_8 = arith.constant 0 : index
    %get3A_9 = vector.load %arg3[%get3A_7, %get3A_8] : memref<8192x256xf32, #tpu.memory_space<vmem>>, vector<8192x256xf32>
    %iota3A = tpu.iota {dimensions = array<i32: 0>} : vector<128x8192xi32>
    %jit3A = arith.constant 8 : i32
    %div3A = vector.broadcast %jit3A : i32 to vector<128x8192xi32>
    %div3A_10 = arith.divsi %iota3A, %div3A : vector<128x8192xi32>
    %sign3A = arith.constant 0 : i32
    %sign3A_11 = vector.broadcast %sign3A : i32 to vector<128x8192xi32>
    %sign3A_12 = arith.cmpi sgt, %iota3A, %sign3A_11 : vector<128x8192xi32>
    %sign3A_13 = arith.extui %sign3A_12 : vector<128x8192xi1> to vector<128x8192xi32>
    %sign3A_14 = arith.constant 0 : i32
    %sign3A_15 = vector.broadcast %sign3A_14 : i32 to vector<128x8192xi32>
    %sign3A_16 = arith.cmpi slt, %iota3A, %sign3A_15 : vector<128x8192xi32>
    %sign3A_17 = arith.extui %sign3A_16 : vector<128x8192xi1> to vector<128x8192xi32>
    %sign3A_18 = arith.subi %sign3A_13, %sign3A_17 : vector<128x8192xi32>
    %sign3A_19 = arith.constant 0 : i32
    %sign3A_20 = arith.cmpi sgt, %jit3A, %sign3A_19 : i32
    %sign3A_21 = arith.extui %sign3A_20 : i1 to i32
    %sign3A_22 = arith.constant 0 : i32
    %sign3A_23 = arith.cmpi slt, %jit3A, %sign3A_22 : i32
    %sign3A_24 = arith.extui %sign3A_23 : i1 to i32
    %sign3A_25 = arith.subi %sign3A_21, %sign3A_24 : i32
    %ne3A = vector.broadcast %sign3A_25 : i32 to vector<128x8192xi32>
    %ne3A_26 = arith.cmpi ne, %sign3A_18, %ne3A : vector<128x8192xi32>
    %rem3A = vector.broadcast %jit3A : i32 to vector<128x8192xi32>
    %rem3A_27 = arith.remsi %iota3A, %rem3A : vector<128x8192xi32>
    %ne3A_28 = arith.constant 0 : i32
    %ne3A_29 = vector.broadcast %ne3A_28 : i32 to vector<128x8192xi32>
    %ne3A_30 = arith.cmpi ne, %rem3A_27, %ne3A_29 : vector<128x8192xi32>
    %and3A = arith.andi %ne3A_26, %ne3A_30 : vector<128x8192xi1>
    %sub3A = arith.constant 1 : i32
    %sub3A_31 = vector.broadcast %sub3A : i32 to vector<128x8192xi32>
    %sub3A_32 = arith.subi %div3A_10, %sub3A_31 : vector<128x8192xi32>
    %select_n3A = arith.select %and3A, %sub3A_32, %div3A_10 : vector<128x8192xi1>, vector<128x8192xi32>
    %broadcast_in_dim3A = vector.shape_cast %get3A_3 : vector<1x8192xi32> to vector<1x8192xi32>
    %broadcast_in_dim3A_33 = vector.broadcast %broadcast_in_dim3A : vector<1x8192xi32> to vector<128x8192xi32>
    %tile3A = tpu.concatenate %get3A_6, %get3A_6, %get3A_6, %get3A_6, %get3A_6, %get3A_6, %get3A_6, %get3A_6, %get3A_6, %get3A_6, %get3A_6, %get3A_6, %get3A_6, %get3A_6, %get3A_6, %get3A_6 in 0 : vector<8x8192xf32>, vector<8x8192xf32>, vector<8x8192xf32>, vector<8x8192xf32>, vector<8x8192xf32>, vector<8x8192xf32>, vector<8x8192xf32>, vector<8x8192xf32>, vector<8x8192xf32>, vector<8x8192xf32>, vector<8x8192xf32>, vector<8x8192xf32>, vector<8x8192xf32>, vector<8x8192xf32>, vector<8x8192xf32>, vector<8x8192xf32> -> vector<128x8192xf32>
    %eq3A_34 = arith.cmpi eq, %broadcast_in_dim3A_33, %select_n3A : vector<128x8192xi32>
    %jit3A_35 = arith.constant 0.000000e+00 : f32
    %broadcast_in_dim3A_36 = vector.broadcast %jit3A_35 : f32 to vector<128x8192xf32>
    %select_n3A_37 = arith.select %eq3A_34, %tile3A, %broadcast_in_dim3A_36 : vector<128x8192xi1>, vector<128x8192xf32>
    %get3A_38 = arith.constant 0 : index
    %get3A_39 = arith.constant 0 : index
    %get3A_40 = vector.load %arg4[%get3A_38, %get3A_39] : memref<128x256xf32, #tpu.memory_space<vmem>>, vector<128x256xf32>
    %dot_general3A = arith.constant dense<0.000000e+00> : vector<128x256xf32>
    %dot_general3A_41 = tpu.matmul %select_n3A_37, %get3A_9, %dot_general3A {dimension_numbers = #tpu.dot_dimension_numbers<[1], [0], [0], [1], [0, 0, 1, 1], [], []>, transpose_lhs_hint = false} : vector<128x8192xf32>, vector<8192x256xf32>, vector<128x256xf32> -> vector<128x256xf32>
    %add3A = arith.addf %get3A_40, %dot_general3A_41 : vector<128x256xf32>
    %swap3A = arith.constant 0 : index
    %swap3A_42 = arith.constant 0 : index
    %swap3A_43 = vector.load %arg4[%swap3A, %swap3A_42] : memref<128x256xf32, #tpu.memory_space<vmem>>, vector<128x256xf32>
    tpu.vector_store %arg4[%swap3A, %swap3A_42], %add3A {strides = array<i32>} : memref<128x256xf32, #tpu.memory_space<vmem>>, vector<128x256xf32>,
    %get3A_44 = arith.constant 0 : index
    %get3A_45 = arith.constant 0 : index
    %get3A_46 = vector.load %arg5[%get3A_44, %get3A_45] : memref<128x1xf32, #tpu.memory_space<vmem>>, vector<128x1xf32>
    %broadcast_in_dim3A_47 = arith.constant 1.000000e+00 : f32
    %broadcast_in_dim3A_48 = vector.broadcast %broadcast_in_dim3A_47 : f32 to vector<8192x1xf32>
    %dot_general3A_49 = arith.constant dense<0.000000e+00> : vector<128x1xf32>
    %dot_general3A_50 = tpu.matmul %select_n3A_37, %broadcast_in_dim3A_48, %dot_general3A_49 {dimension_numbers = #tpu.dot_dimension_numbers<[1], [0], [0], [1], [0, 0, 1, 1], [], []>, transpose_lhs_hint = false} : vector<128x8192xf32>, vector<8192x1xf32>, vector<128x1xf32> -> vector<128x1xf32>
    %add3A_51 = arith.addf %get3A_46, %dot_general3A_50 : vector<128x1xf32>
    %swap3A_52 = arith.constant 0 : index
    %swap3A_53 = arith.constant 0 : index
    %swap3A_54 = vector.load %arg5[%swap3A_52, %swap3A_53] : memref<128x1xf32, #tpu.memory_space<vmem>>, vector<128x1xf32>
    tpu.vector_store %arg5[%swap3A_52, %swap3A_53], %add3A_51 {strides = array<i32>} : memref<128x1xf32, #tpu.memory_space<vmem>>, vector<128x1xf32>,
    %eq3A_55 = arith.constant 3 : i32
    %eq3A_56 = arith.cmpi eq, %arg0, %eq3A_55 : i32
    %convert_element_type3A_57 = arith.extui %eq3A_56 : i1 to i32
    %cond3A_58 = arith.constant 0 : i32
    %cond3A_59 = arith.cmpi ne, %convert_element_type3A_57, %cond3A_58 : i32
    scf.if %cond3A_59 {
      %get3A_60 = arith.constant 0 : index
      %get3A_61 = arith.constant 0 : index
      %get3A_62 = vector.load %arg5[%get3A_60, %get3A_61] : memref<128x1xf32, #tpu.memory_space<vmem>>, vector<128x1xf32>
      %eq3A_63 = arith.constant 0.000000e+00 : f32
      %eq3A_64 = vector.broadcast %eq3A_63 : f32 to vector<128x1xf32>
      %eq3A_65 = arith.cmpf oeq, %get3A_62, %eq3A_64 : vector<128x1xf32>
      %jit3A_66 = arith.constant 1.000000e+00 : f32
      %broadcast_in_dim3A_67 = vector.broadcast %jit3A_66 : f32 to vector<128x1xf32>
      %select_n3A_68 = arith.select %eq3A_65, %broadcast_in_dim3A_67, %get3A_62 : vector<128x1xi1>, vector<128x1xf32>
      %eq3A_69 = arith.constant 0.000000e+00 : f32
      %eq3A_70 = vector.broadcast %eq3A_69 : f32 to vector<128x1xf32>
      %eq3A_71 = arith.cmpf oeq, %get3A_62, %eq3A_70 : vector<128x1xf32>
      %get3A_72 = arith.constant 0 : index
      %get3A_73 = arith.constant 0 : index
      %get3A_74 = vector.load %arg4[%get3A_72, %get3A_73] : memref<128x256xf32, #tpu.memory_space<vmem>>, vector<128x256xf32>
      %div3A_75 = vector.broadcast %select_n3A_68 : vector<128x1xf32> to vector<128x256xf32>
      %div3A_76 = arith.divf %get3A_74, %div3A_75 : vector<128x256xf32>
      %jit3A_77 = arith.constant 0.000000e+00 : f32
      %broadcast_in_dim3A_78 = vector.shape_cast %eq3A_71 : vector<128x1xi1> to vector<128x1xi1>
      %broadcast_in_dim3A_79 = vector.broadcast %broadcast_in_dim3A_78 : vector<128x1xi1> to vector<128x256xi1>
      %broadcast_in_dim3A_80 = vector.broadcast %jit3A_77 : f32 to vector<128x256xf32>
      %select_n3A_81 = arith.select %broadcast_in_dim3A_79, %broadcast_in_dim3A_80, %div3A_76 : vector<128x256xi1>, vector<128x256xf32>
      %ne3A_82 = arith.cmpf one, %select_n3A_81, %select_n3A_81 : vector<128x256xf32>
      %jit3A_83 = arith.constant 9.99999974E-6 : f32
      %broadcast_in_dim3A_84 = vector.broadcast %jit3A_83 : f32 to vector<128x256xf32>
      %select_n3A_85 = arith.select %ne3A_82, %broadcast_in_dim3A_84, %select_n3A_81 : vector<128x256xi1>, vector<128x256xf32>
      %swap3A_86 = arith.constant 0 : index
      %swap3A_87 = arith.constant 0 : index
      %swap3A_88 = vector.load %arg4[%swap3A_86, %swap3A_87] : memref<128x256xf32, #tpu.memory_space<vmem>>, vector<128x256xf32>
      tpu.vector_store %arg4[%swap3A_86, %swap3A_87], %select_n3A_85 {strides = array<i32>} : memref<128x256xf32, #tpu.memory_space<vmem>>, vector<128x256xf32>,
    } else {
    }
    return
  }
  func.func @transform_0(%arg0: i32) -> (i32, i32) {
    %c0_i32 = arith.constant 0 : i32
    %c0_i32_0 = arith.constant 0 : i32
    return %c0_i32, %arg0 : i32, i32
  }
  func.func @transform_1(%arg0: i32) -> (i32, i32) {
    %c0_i32 = arith.constant 0 : i32
    %c0_i32_0 = arith.constant 0 : i32
    return %c0_i32, %arg0 : i32, i32
  }
  func.func @transform_2(%arg0: i32) -> (i32, i32) {
    %c0_i32 = arith.constant 0 : i32
    %c0_i32_0 = arith.constant 0 : i32
    return %arg0, %c0_i32 : i32, i32
  }
  func.func @transform_3(%arg0: i32) -> (i32, i32) {
    %c0_i32 = arith.constant 0 : i32
    %c0_i32_0 = arith.constant 0 : i32
    %c0_i32_1 = arith.constant 0 : i32
    return %c0_i32, %c0_i32_0 : i32, i32
  }
  func.func @transform_4(%arg0: i32) -> (i32, i32) {
    %c0_i32 = arith.constant 0 : i32
    %c0_i32_0 = arith.constant 0 : i32
    %c0_i32_1 = arith.constant 0 : i32
    return %c0_i32, %c0_i32_0 : i32, i32
  }
}

</mosaic_0001>

<sc_bundles>
// kernel: kernel.4.cloned.1.call-start
scs
__scs_entry_jumppad:
0x0: {  	(pc) =	sbr.rel $0x88, $3  }
0x1: {  	(tag) =	ssettag $0x0;
	lr =	simm.s32 $0x1  }
0x2: {  	[smem:$0x3F9E] =	sst lr;
	_ =	strace $0xD0000000  }
0x3: {  	_ = 	snop  }
0x4: {  	_ = 	snop  }
0x5: {  	_ = 	snop  }
0x6: {  	_ = 	snop  }
0x7: {  	_ = 	snop  }
__scs_overlays_trampoline_lowered:
0x8: {  	[smem:$0x3FAD] =	sst s0  }
0x9: {  	[smem:$0x3FAE] =	sst s1  }
0xa: {  	[smem:$0x3FAF] =	sst s2  }
0xb: {  	[smem:$0x3FB0] =	sst s3  }
0xc: {  	[smem:$0x3FB1] =	sst s4  }
0xd: {  	[smem:$0x3FB2] =	sst s5  }
0xe: {  	[smem:$0x3FB3] =	sst s6  }
0xf: {  	[smem:$0x3FB4] =	sst s7  }
0x10: {  	[smem:$0x3FB5] =	sst s8  }
0x11: {  	[smem:$0x3FB6] =	sst s9;
	s0 =	simm.s32 @!p0 $0x0  }
0x12: {  	s1 =	sld [smem:$0x3F9C];
	s0 =	simm.s32 @p0 $0x1  }
0x13: {  	[smem:$0x3FB7] =	sst s0;
	s0 =	simm.s32 @!p1 $0x0  }
0x14: {  	s2 =	sld [smem:$0x3F9B];
	s0 =	simm.s32 @p1 $0x1  }
0x15: {  	[smem:$0x3FB8] =	sst s0;
	s0 =	simm.s32 @!p2 $0x0  }
0x16: {  	s3 =	sld [smem:$0x3FDB];
	s0 =	simm.s32 @p2 $0x1  }
0x17: {  	s4 =	simm.s32 $0x1BF5;
	[smem:$0x3FBA] =	sst s0  }
0x18: {  	s0 =	sld [smem:$0x3F9D];
	_ =	swait.ge [sflag:s4], $0x0  }
0x19: {  	s7 =	sld [smem:$0x3F9E]  }
0x1a: {  	s8 =	sadd.s32 $0xFFFFE003, lr  }
0x1b: {  	s9 =	sadd.s32 $0xFFFFFEF7, lr;
	s5 =	simm.s32 $0xFFFFFFFF;
	p2 =	slt.u32 s8, $0xFFFFF086  }
0x1c: {  	p1 =	slt.u32 s9, $0xF7A;
	s5 =	simm.s32 @!p2 $0x0  }
0x1d: {  	s5 =	simm.s32 @p1 $0x1;
	p0 =	seq.s32 s7, s2  }
0x1e: {  	s7 =	smul.u32 @!p0 $0xF7A, s2;
	p2 =	seq.s32 @!p0 s5, $0x0  }
0x1f: {  	s9 =	smul.u32 $0xF7A, s1;
	s8 =	simm.s32 @!p0 $0x1BF5;
	p2 =	por !p2, p0  }
0x20: {  	[sflag:s8] =	ssyncset.s32 @!p0 $0xFFFFF086;
	s6 =	sadd.s32 @!p0 s3, s7;
	s7 =	simm.s32 @!p0 $0x108  }
0x21: {  	s3 =	sadd.s32 s3, s9;
	s6 =	sadd.s32 @!p0 $0x88, s6;
	s7 =	simm.s32 @p2 $0x1082  }
0x22: {  	[simem:s7], [sflag:s8] =	dma.local @!p0 [hbm:s6], $0xF7A  }
0x23: {  	s9 =	sor.u32 $0xD0000000, s2;
	s6 =	simm.s32 $0x108;
	_ =	swait.ge @!p0 [sflag:s8], $0x0  }
0x24: {  	s3 =	sadd.s32 $0x88, s3;
	s6 =	simm.s32 @!p1 $0x1082;
	[sflag:s4] =	ssyncset.s32 $0xFFFFF086  }
0x25: {  	[simem:s6], [sflag:s4] =	dma.local [hbm:s3], $0xF7A  }
0x26: {  	[smem:$0x3F9E] =	sst s1;
	(tag) =	ssettag s2;
	_ =	strace s9  }
0x27: {  	s1 =	sld [smem:$0x3FAE]  }
0x28: {  	s2 =	sld [smem:$0x3FAF]  }
0x29: {  	s4 =	sld [smem:$0x3FB1]  }
0x2a: {  	p0 =	seq.s32 s5, $0x0;
	s5 =	sld [smem:$0x3FB2]  }
0x2b: {  	s6 =	sld [smem:$0x3FB3]  }
0x2c: {  	s7 =	sld [smem:$0x3FB4]  }
0x2d: {  	s3 =	simm.s32 $0x108;
	s8 =	sld [smem:$0x3FB5]  }
0x2e: {  	s3 =	simm.s32 @!p0 $0x1082;
	s9 =	sld [smem:$0x3FB6]  }
0x2f: {  	lr =	sadd.s32 s0, s3;
	s0 =	sld [smem:$0x3FAD]  }
0x30: {  	s3 =	sld [smem:$0x3FB0]  }
0x31: {  	[smem:$0x3FB9] =	sst s10  }
0x32: {  	s10 =	sld [smem:$0x3FB7];
	_ =	sdelay $0x3  }
0x33: {  	p0 =	seq.s32 s10, $0x1;
	s10 =	sld [smem:$0x3FB9];
	_ =	sdelay $0x3  }
0x34: {  	[smem:$0x3FB9] =	sst s10  }
0x35: {  	s10 =	sld [smem:$0x3FB8];
	_ =	sdelay $0x3  }
0x36: {  	p1 =	seq.s32 s10, $0x1;
	s10 =	sld [smem:$0x3FB9];
	_ =	sdelay $0x3  }
0x37: {  	[smem:$0x3FB9] =	sst s10  }
0x38: {  	s10 =	sld [smem:$0x3FBA]  }
0x39: {  	_ = 	snop;
	(pc) =	sbr.ind lr, $3  }
0x3a: {  	_ = 	snop  }
0x3b: {  	_ = 	snop  }
0x3c: {  	p2 =	seq.s32 s10, $0x1;
	s10 =	sld [smem:$0x3FB9]  }
0x3d: {  	_ =	shalt  }
0x3e: {  	_ =	shalt  }
0x3f: {  	_ =	shalt  }
0x40: {  	_ =	shalt  }
0x41: {  	_ =	shalt  }
0x42: {  	_ =	shalt  }
0x43: {  	_ =	shalt  }
0x44: {  	_ =	shalt  }
0x45: {  	_ =	shalt  }
0x46: {  	_ =	shalt  }
0x47: {  	_ =	shalt  }
0x48: {  	_ =	shalt  }
0x49: {  	_ =	shalt  }
0x4a: {  	_ =	shalt  }
0x4b: {  	_ =	shalt  }
0x4c: {  	_ =	shalt  }
0x4d: {  	_ =	shalt  }
0x4e: {  	_ =	shalt  }
0x4f: {  	_ =	shalt  }
0x50: {  	_ =	shalt  }
0x51: {  	_ =	shalt  }
0x52: {  	_ =	shalt  }
0x53: {  	_ =	shalt  }
0x54: {  	_ =	shalt  }
0x55: {  	_ =	shalt  }
0x56: {  	_ =	shalt  }
0x57: {  	_ =	shalt  }
0x58: {  	_ =	shalt  }
0x59: {  	_ =	shalt  }
0x5a: {  	_ =	shalt  }
0x5b: {  	_ =	shalt  }
0x5c: {  	_ =	shalt  }
0x5d: {  	_ =	shalt  }
0x5e: {  	_ =	shalt  }
0x5f: {  	_ =	shalt  }
0x60: {  	_ =	shalt  }
0x61: {  	_ =	shalt  }
0x62: {  	_ =	shalt  }
0x63: {  	_ =	shalt  }
0x64: {  	_ =	shalt  }
0x65: {  	_ =	shalt  }
0x66: {  	_ =	shalt  }
0x67: {  	_ =	shalt  }
0x68: {  	_ =	shalt  }
0x69: {  	_ =	shalt  }
0x6a: {  	_ =	shalt  }
0x6b: {  	_ =	shalt  }
0x6c: {  	_ =	shalt  }
0x6d: {  	_ =	shalt  }
0x6e: {  	_ =	shalt  }
0x6f: {  	_ =	shalt  }
0x70: {  	_ =	shalt  }
0x71: {  	_ =	shalt  }
0x72: {  	_ =	shalt  }
0x73: {  	_ =	shalt  }
0x74: {  	_ =	shalt  }
0x75: {  	_ =	shalt  }
0x76: {  	_ =	shalt  }
0x77: {  	_ =	shalt  }
0x78: {  	_ =	shalt  }
0x79: {  	_ =	shalt  }
0x7a: {  	_ =	shalt  }
0x7b: {  	_ =	shalt  }
0x7c: {  	_ =	shalt  }
0x7d: {  	_ =	shalt  }
0x7e: {  	_ =	shalt  }
0x7f: {  	_ =	shalt  }
0x80: {  	_ =	shalt  }
0x81: {  	_ =	shalt  }
0x82: {  	_ =	shalt  }
0x83: {  	_ =	shalt  }
0x84: {  	_ =	shalt  }
0x85: {  	_ =	shalt  }
0x86: {  	_ =	shalt  }
0x87: {  	_ =	shalt  }
.Lfunc_end0:
.L_simem_size_0:
called_computation_lowered:
.L_overlay_start_0:
0x88: {  	s2 =	sld [smem:$0x3FD9]  }
0x89: {  	s3 =	sld [smem:$0x3FFE];
	_ =	sdelay $0x1  }
0x8a: {  	s1 =	srdreg.scid  }
0x8b: {  	s0 =	sand.u32 $0x1, s1  }
0x8c: {  	s15 =	sshll.u32 s0, $0xA;
	s2 =	sadd.s32 s3, s2  }
0x8d: {  	s2 =	sadd.s32 s2, s15  }
0x8e: {  	[smem:$0x3FC5] =	sst s2  }
0x8f: {  	_ = 	snop  }
0x90: {  	s2 =	sld [smem:$0x3FD0];
	_ =	sdelay $0x1  }
0x91: {  	s16 =	sld [smem:$0x3FC8]  }
0x92: {  	s5 =	simm.s32 $0xA;
	s6 =	simm.s32 $0x10;
	s4 =	sld [smem:$0x3FC7]  }
0x93: {  	[smem:s6], [sflag:s5] =	dma.local [hbm:s2], $0x1  }
0x94: {  	_ =	swait.eq [sflag:s5], $0x1  }
0x95: {  	[sflag:s5] =	ssyncset.done $0x0  }
0x96: {  	[sflag:s5] =	ssyncadd.s32 $0xFFFFFFFF  }
0x97: {  	s17 =	sld [smem:$0x11];
	(tm) =	ssettm $0x1  }
0x98: {  	s18 =	sld [smem:$0x3FFB];
	_ =	sdelay $0x3  }
0x99: {  	_ =	strace s18  }
0x9a: {  	s5 =	sld [smem:$0x3FFC];
	_ =	sdelay $0x3  }
0x9b: {  	_ =	strace s5  }
0x9c: {  	s5 =	sld [smem:$0x3FFD];
	_ =	sdelay $0x3  }
0x9d: {  	_ =	strace s5  }
0x9e: {  	_ =	strace $0x8FFFFFFF  }
0x9f: {  	s19 =	sld [smem:$0x3FDB];
	_ =	sdelay $0x1  }
0xa0: {  	s20 =	simm.s32 $_scs_section_size  }
0xa1: {  	s7 =	simm.s32 $_size__tile_overlayer_lowered;
	s8 =	simm.s32 $_tile_overlayer_lowered  }
0xa2: {  	s23 =	simm.s32 $0x1BFF;
	s22 =	sshll.u32 s8, $0x1;
	s5 =	sadd.s32 s20, s19  }
0xa3: {  	s9 =	simm.s32 $0x0;
	s21 =	sshll.u32 s7, $0x1;
	s7 =	sadd.s32 s22, s5  }
0xa4: {  	[timem:s9], [sflag:s23] =	dma.local [hbm:s7], s21  }
0xa5: {  	_ =	swait.ge [sflag:s23], s21  }
0xa6: {  	s6 =	ssub.s32 $0x0, s21;
	[sflag:s23] =	ssyncset.done $0x0  }
0xa7: {  	[sflag:s23] =	ssyncadd.s32 s6;
	_ =	sdelay $0x1  }
0xa8: {  	s24 =	simm.s32 $0x1B8B  }
0xa9: {  	_ =	swait.ge [sflag:s24], $0x1  }
0xaa: {  	[sflag:s24] =	ssyncset.done $0x0  }
0xab: {  	s25 =	simm.s32 $0x1B8E;
	[sflag:s24] =	ssyncadd.s32 $0xFFFFFFFF  }
0xac: {  	s26 =	simm.s32 $execute0_lowered;
	[smem:$0x3FD2] =	sst s25  }
0xad: {  	s6 =	sshll.u32 s26, $0x1;
	_ =	strace $0x80000046;
	[dreg:$0x1] =	wrdreg $0xFFFFFFFF  }
0xae: {  	s28 =	simm.s32 $_size_execute0_lowered;
	s5 =	sadd.s32 s5, s6;
	[dreg:$0x0] =	wrdreg $0x0  }
0xaf: {  	s6 =	sshll.u32 s28, $0x1;
	[dreg:$0x2] =	wrdreg s5  }
0xb0: {  	[dreg:$0x3] =	wrdreg s6  }
0xb1: {  	[dreg:$0x4] =	wrdreg $0xC0  }
0xb2: {  	_ =	task [dreg:s9], $0x5FFFF  }
0xb3: {  	[dreg:$0x1] =	wrdreg $0xFFFFFFFF  }
0xb4: {  	[dreg:$0x0] =	wrdreg $0x60  }
0xb5: {  	[dreg:$0x2] =	wrdreg s16  }
0xb6: {  	[dreg:$0x3] =	wrdreg s4  }
0xb7: {  	[dreg:$0x4] =	wrdreg s17  }
0xb8: {  	[dreg:$0x5] =	wrdreg $0x34000  }
0xb9: {  	[dreg:$0x6] =	wrdreg $0x9  }
0xba: {  	_ =	task.clear_ibuf [dreg:s9], $0x7FFFF;
	_ =	strace $0x90000046  }
0xbb: {  	s29 =	simm.s32 $0x9;
	_ =	strace $0x80000048  }
0xbc: {  	_ =	swait.ge [sflag:s29], $0x1  }
0xbd: {  	[sflag:s29] =	ssyncadd.s32 $0xFFFFFFFF  }
0xbe: {  	_ =	strace $0x90000048  }
0xbf: {  	_ =	sfence  }
0xc0: {  	s30 =	sld [smem:$0x0];
	_ =	sdelay $0x2  }
0xc1: {  	s31 =	sshll.u32 s1, $0xD;
	s1 =	sshrl.u32 s1, $0x2  }
0xc2: {  	s3 =	sand.u32 $0x4000, s31;
	s1 =	sadd.s32 s1, s30  }
0xc3: {  	s0 =	sor.u32 s3, s0;
	s1 =	sshll.u32 s1, $0x11  }
0xc4: {  	s0 =	sor.u32 s1, s0  }
0xc5: {  	s0 =	sadd.s32 $0x8F2B, s0  }
0xc6: {  	[sflag:s0] =	ssyncadd.remote.s32 $0x1  }
0xc7: {  	_ =	sfence.sel $0xFFFF  }
0xc8: {  	[dreg:$0x0] =	wrdreg $0xFFFFFFFF;
	(pc) =	sbr.abs _section_cstart, $3  }
0xc9: {  	[dreg:$0x1] =	wrdreg $0xFFFFFFFF  }
0xca: {  	_ =	task.clear_ibuf [dreg:s9], $0x2FFFF;
	_ =	strace $0x9FFFFFFF  }
0xcb: {  	(tm) =	ssettm $0x7FFFFFFF  }
tec
execute0_lowered:
.L_overlay_start_1:
0x0: {  	(tag) =	ssettag $0x1  }
0x1: {  	s3 =	rddreg [dreg:$0x0]  }
0x2: {  	s4 =	rddreg [dreg:$0x1]  }
0x3: {  	s6 =	rddreg [dreg:$0x2]  }
0x4: {  	s1 =	rddreg [dreg:$0x3]  }
0x5: {  	s0 =	rddreg [dreg:$0x4]  }
0x6: {  	s5 =	srdreg.scid;
	s10 =	stileid.u32  }
0x7: {  	s2 =	simm.s32 $0x0;
	s5 =	sand.u32 $0x1, s5;
	s8 =	sshll.u32 s10, $0xB  }
0x8: {  	[smem:$0x7FF] =	sst s2;
	s30 =	sshll.u32 s10, $0x7;
	p0 =	sne.s32 s10, $0x0  }
0x9: {  	v0 =	vlaneseq.u32;
	s10 =	simm.s32 $0x2C00;
	s7 =	ssub.s32 $0x2, s5;
	s9 =	sshll.u32 s5, $0xA  }
.Ltmp0:
0xa: {  	v0 =	vmul.u32 $0x80, v0;
	_ =	strace $0x80000047;
	s31 =	sshll.u32 s5, $0x4;
	(pc) =	sbr.rel .LBB2_1-.Ltmp0, $4  }
0xb: {  	s5 =	sadd.s32 s30, s1;
	s11 =	sshrl.u32 s7, $0x1;
	s8 =	sor.u32 s9, s8  }
0xc: {  	v1 =	vimm.f32 $0.0e+00;
	s6 =	sadd.s32 s6, s31;
	v2 =	vor.u32 $0x1, v0;
	s9 =	simm.s32 $0x2400;
	s7 =	ssub.s32 s7, s11  }
0xd: {  	v3 =	vor.u32 $0x2, v0;
	v4 =	vor.u32 $0x3, v0;
	v5 =	vor.u32 $0x4, v0;
	s3 =	sadd.s32 s3, s8;
	s8 =	sshrl.u32 s8, $0x3;
	s11 =	simm.s32 $0x0  }
0xe: {  	v6 =	vor.u32 $0x5, v0;
	v7 =	vor.u32 $0x6, v0;
	v8 =	vor.u32 $0x7, v0;
	s4 =	sadd.s32 s4, s8;
	s7 =	smax.u32 s7, $0x1;
	s8 =	simm.s32 $0x1  }
.LBB2_5:
0xf: {  	s11 =	sadd.s32 $0x1, s11  }
0x10: {  	p1 =	sne.s32 s11, s7  }
.Ltmp1:
0x11: {  	_ = 	snop;
	(pc) =	sbr.rel @!p1 .LBB2_6-.Ltmp1, $1  }
0x12: {  	_ =	sdelay $0x3  }
.LBB2_1:
0x13: {  	[tilespmem:s2], [sflag:$0x1] =	stream.linear.gather [hbm4b:s3+s2], $0x2000, $0x38;
	[tilespmem:$0x3480] =	vst v63  }
0x14: {  	_ =	swait.ge [sflag:s8], $0x2000  }
0x15: {  	[sflag:s8] =	ssyncset.done $0x0  }
0x16: {  	s12 =	simm.s32 $0x2000;
	[sflag:s8] =	ssyncadd.s32 $0xFFFFE000  }
0x17: {  	[tilespmem:s12], [sflag:$0x1] =	stream.linear.gather [hbm4b:s4+s2], $0x400, $0x38;
	[tilespmem:$0x3480] =	vst v63  }
0x18: {  	_ =	swait.ge [sflag:s8], $0x400  }
0x19: {  	[sflag:s8] =	ssyncset.done $0x0  }
0x1a: {  	[sflag:s8] =	ssyncadd.s32 $0xFFFFFC00  }
0x1b: {  	[tilespmem:$0x2400] =	vst v1  }
0x1c: {  	[tilespmem:$0x2410] =	vst v1  }
0x1d: {  	[tilespmem:$0x2420] =	vst v1  }
0x1e: {  	[tilespmem:$0x2430] =	vst v1  }
0x1f: {  	[tilespmem:$0x2440] =	vst v1  }
0x20: {  	[tilespmem:$0x2450] =	vst v1  }
0x21: {  	[tilespmem:$0x2460] =	vst v1  }
0x22: {  	[tilespmem:$0x2470] =	vst v1  }
0x23: {  	[tilespmem:$0x2480] =	vst v1  }
0x24: {  	[tilespmem:$0x2490] =	vst v1  }
0x25: {  	[tilespmem:$0x24A0] =	vst v1  }
0x26: {  	[tilespmem:$0x24B0] =	vst v1  }
0x27: {  	[tilespmem:$0x24C0] =	vst v1  }
0x28: {  	[tilespmem:$0x24D0] =	vst v1  }
0x29: {  	[tilespmem:$0x24E0] =	vst v1  }
0x2a: {  	[tilespmem:$0x24F0] =	vst v1  }
0x2b: {  	[tilespmem:$0x2500] =	vst v1  }
0x2c: {  	[tilespmem:$0x2510] =	vst v1  }
0x2d: {  	[tilespmem:$0x2520] =	vst v1  }
0x2e: {  	[tilespmem:$0x2530] =	vst v1  }
0x2f: {  	[tilespmem:$0x2540] =	vst v1  }
0x30: {  	[tilespmem:$0x2550] =	vst v1  }
0x31: {  	[tilespmem:$0x2560] =	vst v1  }
0x32: {  	[tilespmem:$0x2570] =	vst v1  }
0x33: {  	[tilespmem:$0x2580] =	vst v1  }
0x34: {  	[tilespmem:$0x2590] =	vst v1  }
0x35: {  	[tilespmem:$0x25A0] =	vst v1  }
0x36: {  	[tilespmem:$0x25B0] =	vst v1  }
0x37: {  	[tilespmem:$0x25C0] =	vst v1  }
0x38: {  	[tilespmem:$0x25D0] =	vst v1  }
0x39: {  	[tilespmem:$0x25E0] =	vst v1  }
0x3a: {  	[tilespmem:$0x25F0] =	vst v1  }
0x3b: {  	[tilespmem:$0x2600] =	vst v1  }
0x3c: {  	[tilespmem:$0x2610] =	vst v1  }
0x3d: {  	[tilespmem:$0x2620] =	vst v1  }
0x3e: {  	[tilespmem:$0x2630] =	vst v1  }
0x3f: {  	[tilespmem:$0x2640] =	vst v1  }
0x40: {  	[tilespmem:$0x2650] =	vst v1  }
0x41: {  	[tilespmem:$0x2660] =	vst v1  }
0x42: {  	[tilespmem:$0x2670] =	vst v1  }
0x43: {  	[tilespmem:$0x2680] =	vst v1  }
0x44: {  	[tilespmem:$0x2690] =	vst v1  }
0x45: {  	[tilespmem:$0x26A0] =	vst v1  }
0x46: {  	[tilespmem:$0x26B0] =	vst v1  }
0x47: {  	[tilespmem:$0x26C0] =	vst v1  }
0x48: {  	[tilespmem:$0x26D0] =	vst v1  }
0x49: {  	[tilespmem:$0x26E0] =	vst v1  }
0x4a: {  	[tilespmem:$0x26F0] =	vst v1  }
0x4b: {  	[tilespmem:$0x2700] =	vst v1  }
0x4c: {  	[tilespmem:$0x2710] =	vst v1  }
0x4d: {  	[tilespmem:$0x2720] =	vst v1  }
0x4e: {  	[tilespmem:$0x2730] =	vst v1  }
0x4f: {  	[tilespmem:$0x2740] =	vst v1  }
0x50: {  	[tilespmem:$0x2750] =	vst v1  }
0x51: {  	[tilespmem:$0x2760] =	vst v1  }
0x52: {  	[tilespmem:$0x2770] =	vst v1  }
0x53: {  	[tilespmem:$0x2780] =	vst v1  }
0x54: {  	[tilespmem:$0x2790] =	vst v1  }
0x55: {  	[tilespmem:$0x27A0] =	vst v1  }
0x56: {  	[tilespmem:$0x27B0] =	vst v1  }
0x57: {  	[tilespmem:$0x27C0] =	vst v1  }
0x58: {  	[tilespmem:$0x27D0] =	vst v1  }
0x59: {  	[tilespmem:$0x27E0] =	vst v1  }
0x5a: {  	[tilespmem:$0x27F0] =	vst v1  }
0x5b: {  	[tilespmem:$0x2800] =	vst v1  }
0x5c: {  	[tilespmem:$0x2810] =	vst v1  }
0x5d: {  	[tilespmem:$0x2820] =	vst v1  }
0x5e: {  	[tilespmem:$0x2830] =	vst v1  }
0x5f: {  	[tilespmem:$0x2840] =	vst v1  }
0x60: {  	[tilespmem:$0x2850] =	vst v1  }
0x61: {  	[tilespmem:$0x2860] =	vst v1  }
0x62: {  	[tilespmem:$0x2870] =	vst v1  }
0x63: {  	[tilespmem:$0x2880] =	vst v1  }
0x64: {  	[tilespmem:$0x2890] =	vst v1  }
0x65: {  	[tilespmem:$0x28A0] =	vst v1  }
0x66: {  	[tilespmem:$0x28B0] =	vst v1  }
0x67: {  	[tilespmem:$0x28C0] =	vst v1  }
0x68: {  	[tilespmem:$0x28D0] =	vst v1  }
0x69: {  	[tilespmem:$0x28E0] =	vst v1  }
0x6a: {  	[tilespmem:$0x28F0] =	vst v1  }
0x6b: {  	[tilespmem:$0x2900] =	vst v1  }
0x6c: {  	[tilespmem:$0x2910] =	vst v1  }
0x6d: {  	[tilespmem:$0x2920] =	vst v1  }
0x6e: {  	[tilespmem:$0x2930] =	vst v1  }
0x6f: {  	[tilespmem:$0x2940] =	vst v1  }
0x70: {  	[tilespmem:$0x2950] =	vst v1  }
0x71: {  	[tilespmem:$0x2960] =	vst v1  }
0x72: {  	[tilespmem:$0x2970] =	vst v1  }
0x73: {  	[tilespmem:$0x2980] =	vst v1  }
0x74: {  	[tilespmem:$0x2990] =	vst v1  }
0x75: {  	[tilespmem:$0x29A0] =	vst v1  }
0x76: {  	[tilespmem:$0x29B0] =	vst v1  }
0x77: {  	[tilespmem:$0x29C0] =	vst v1  }
0x78: {  	[tilespmem:$0x29D0] =	vst v1  }
0x79: {  	[tilespmem:$0x29E0] =	vst v1  }
0x7a: {  	[tilespmem:$0x29F0] =	vst v1  }
0x7b: {  	[tilespmem:$0x2A00] =	vst v1  }
0x7c: {  	[tilespmem:$0x2A10] =	vst v1  }
0x7d: {  	[tilespmem:$0x2A20] =	vst v1  }
0x7e: {  	[tilespmem:$0x2A30] =	vst v1  }
0x7f: {  	[tilespmem:$0x2A40] =	vst v1  }
0x80: {  	[tilespmem:$0x2A50] =	vst v1  }
0x81: {  	[tilespmem:$0x2A60] =	vst v1  }
0x82: {  	[tilespmem:$0x2A70] =	vst v1  }
0x83: {  	[tilespmem:$0x2A80] =	vst v1  }
0x84: {  	[tilespmem:$0x2A90] =	vst v1  }
0x85: {  	[tilespmem:$0x2AA0] =	vst v1  }
0x86: {  	[tilespmem:$0x2AB0] =	vst v1  }
0x87: {  	[tilespmem:$0x2AC0] =	vst v1  }
0x88: {  	[tilespmem:$0x2AD0] =	vst v1  }
0x89: {  	[tilespmem:$0x2AE0] =	vst v1  }
0x8a: {  	[tilespmem:$0x2AF0] =	vst v1  }
0x8b: {  	[tilespmem:$0x2B00] =	vst v1  }
0x8c: {  	[tilespmem:$0x2B10] =	vst v1  }
0x8d: {  	[tilespmem:$0x2B20] =	vst v1  }
0x8e: {  	[tilespmem:$0x2B30] =	vst v1  }
0x8f: {  	[tilespmem:$0x2B40] =	vst v1  }
0x90: {  	[tilespmem:$0x2B50] =	vst v1  }
0x91: {  	[tilespmem:$0x2B60] =	vst v1  }
0x92: {  	[tilespmem:$0x2B70] =	vst v1  }
0x93: {  	[tilespmem:$0x2B80] =	vst v1  }
0x94: {  	[tilespmem:$0x2B90] =	vst v1  }
0x95: {  	[tilespmem:$0x2BA0] =	vst v1  }
0x96: {  	[tilespmem:$0x2BB0] =	vst v1  }
0x97: {  	[tilespmem:$0x2BC0] =	vst v1  }
0x98: {  	[tilespmem:$0x2BD0] =	vst v1  }
0x99: {  	[tilespmem:$0x2BE0] =	vst v1  }
0x9a: {  	[tilespmem:$0x2BF0] =	vst v1  }
0x9b: {  	v9 =	vld [tilespmem:s12+$0x0];
	_ =	sdelay $0x4  }
0x9c: {  	v9 =	vshll.u32 v9, $0x3  }
0x9d: {  	s13 =	sand.u32 $0x70, s2;
	s14 =	sand.u32 $0x1C00, s2;
	v10 =	vadd.s32 v0, v9  }
0x9e: {  	s13 =	sor.u32 s13, s14;
	v11 =	vand.u32 $0x78, v9;
	v10 =	vand.u32 $0xFFFFFF80, v10  }
0x9f: {  	v12 =	vld [tilespmem:s13+$0x0];
	v10 =	vor.u32 v11, v10;
	_ =	sdelay $0x4  }
0xa0: {  	[tilespmem:v10+s9+$0x0] =	vst.idx.add.f32.msk $0xffff, v12  }
0xa1: {  	v10 =	vadd.s32 v2, v9;
	v11 =	vld [tilespmem:s13+$0x80];
	_ =	sdelay $0x4  }
0xa2: {  	[tilespmem:v10+s9+$0x0] =	vst.idx.add.f32.msk $0xffff, v11  }
0xa3: {  	v10 =	vadd.s32 v3, v9;
	v11 =	vld [tilespmem:s13+$0x100];
	_ =	sdelay $0x4  }
0xa4: {  	[tilespmem:v10+s9+$0x0] =	vst.idx.add.f32.msk $0xffff, v11  }
0xa5: {  	v10 =	vadd.s32 v4, v9;
	v11 =	vld [tilespmem:s13+$0x180];
	_ =	sdelay $0x4  }
0xa6: {  	[tilespmem:v10+s9+$0x0] =	vst.idx.add.f32.msk $0xffff, v11  }
0xa7: {  	v10 =	vadd.s32 v5, v9;
	v11 =	vld [tilespmem:s13+$0x200];
	_ =	sdelay $0x4  }
0xa8: {  	[tilespmem:v10+s9+$0x0] =	vst.idx.add.f32.msk $0xffff, v11  }
0xa9: {  	v10 =	vadd.s32 v6, v9;
	v11 =	vld [tilespmem:s13+$0x280];
	_ =	sdelay $0x4  }
0xaa: {  	[tilespmem:v10+s9+$0x0] =	vst.idx.add.f32.msk $0xffff, v11  }
0xab: {  	v10 =	vadd.s32 v7, v9;
	v11 =	vld [tilespmem:s13+$0x300];
	_ =	sdelay $0x3  }
0xac: {  	s30 =	sor.u32 s2, s2  }
0xad: {  	s31 =	sor.u32 $0x380, s30;
	[tilespmem:v10+s9+$0x0] =	vst.idx.add.f32.msk $0xffff, v11  }
0xae: {  	s14 =	simm.s32 $0x0;
	v9 =	vadd.s32 v8, v9;
	s13 =	simm.s32 $0x10;
	v10 =	vld [tilespmem:s31+$0x0]  }
.LBB2_2:
0xaf: {  	_ =	sdelay $0x3  }
0xb0: {  	p1 =	sne.s32 s13, $0x3F0;
	s14 =	sadd.s32 $0x80, s14;
	s12 =	sadd.s32 $0x10, s12;
	[tilespmem:v9+s9+$0x0] =	vst.idx.add.f32.msk $0xffff, v10  }
0xb1: {  	s15 =	smov.u32 s13;
	s13 =	sadd.s32 $0x10, s13;
	v9 =	vld [tilespmem:s12+$0x0];
	_ =	sdelay $0x4  }
0xb2: {  	v9 =	vshll.u32 v9, $0x3  }
0xb3: {  	s16 =	sand.u32 $0x70, s15;
	s17 =	sand.u32 $0x1C00, s14;
	v10 =	vadd.s32 v0, v9  }
0xb4: {  	s16 =	sor.u32 s16, s17;
	v11 =	vand.u32 $0x78, v9;
	v10 =	vand.u32 $0xFFFFFF80, v10  }
0xb5: {  	v12 =	vld [tilespmem:s16+$0x0];
	v10 =	vor.u32 v11, v10;
	_ =	sdelay $0x4  }
0xb6: {  	[tilespmem:v10+s9+$0x0] =	vst.idx.add.f32.msk $0xffff, v12  }
0xb7: {  	v10 =	vadd.s32 v2, v9;
	v11 =	vld [tilespmem:s16+$0x80];
	_ =	sdelay $0x4  }
0xb8: {  	[tilespmem:v10+s9+$0x0] =	vst.idx.add.f32.msk $0xffff, v11  }
0xb9: {  	v10 =	vadd.s32 v3, v9;
	v11 =	vld [tilespmem:s16+$0x100];
	_ =	sdelay $0x4  }
0xba: {  	[tilespmem:v10+s9+$0x0] =	vst.idx.add.f32.msk $0xffff, v11  }
0xbb: {  	v10 =	vadd.s32 v4, v9;
	v11 =	vld [tilespmem:s16+$0x180];
	_ =	sdelay $0x4  }
0xbc: {  	[tilespmem:v10+s9+$0x0] =	vst.idx.add.f32.msk $0xffff, v11  }
0xbd: {  	v10 =	vadd.s32 v5, v9;
	v11 =	vld [tilespmem:s16+$0x200];
	_ =	sdelay $0x4  }
0xbe: {  	[tilespmem:v10+s9+$0x0] =	vst.idx.add.f32.msk $0xffff, v11  }
0xbf: {  	v10 =	vadd.s32 v6, v9;
	v11 =	vld [tilespmem:s16+$0x280];
	_ =	sdelay $0x4  }
0xc0: {  	[tilespmem:v10+s9+$0x0] =	vst.idx.add.f32.msk $0xffff, v11  }
0xc1: {  	v10 =	vadd.s32 v7, v9;
	v11 =	vld [tilespmem:s16+$0x300];
	_ =	sdelay $0x1  }
.Ltmp2:
0xc2: {  	(pc) =	sbr.rel @p1 .LBB2_2-.Ltmp2, $4  }
0xc3: {  	_ = 	snop  }
0xc4: {  	s15 =	sor.u32 s14, s15  }
0xc5: {  	s15 =	sor.u32 $0x380, s15;
	[tilespmem:v10+s9+$0x0] =	vst.idx.add.f32.msk $0xffff, v11  }
0xc6: {  	v9 =	vadd.s32 v8, v9;
	v10 =	vld [tilespmem:s15+$0x0]  }
0xc7: {  	_ =	sdelay $0x3  }
0xc8: {  	[tilespmem:v9+s9+$0x0] =	vst.idx.add.f32.msk $0xffff, v10  }
0xc9: {  	v13 =	vld [tilespmem:$0x2400]  }
0xca: {  	v11 =	vld [tilespmem:$0x2480]  }
0xcb: {  	v15 =	vld [tilespmem:$0x2500]  }
0xcc: {  	v19 =	vld [tilespmem:$0x2580]  }
0xcd: {  	v21 =	vld [tilespmem:$0x2600]  }
0xce: {  	v23 =	vld [tilespmem:$0x2680]  }
0xcf: {  	v25 =	vld [tilespmem:$0x2700]  }
0xd0: {  	v37 =	vld [tilespmem:$0x2780]  }
0xd1: {  	v41 =	vld [tilespmem:$0x2800]  }
0xd2: {  	v9 =	vld [tilespmem:$0x2880]  }
0xd3: {  	v14 =	vld [tilespmem:$0x2410]  }
0xd4: {  	v16 =	vld [tilespmem:$0x2490]  }
0xd5: {  	v28 =	vld [tilespmem:$0x2510]  }
0xd6: {  	v29 =	vld [tilespmem:$0x2590]  }
0xd7: {  	v30 =	vld [tilespmem:$0x2610]  }
0xd8: {  	v31 =	vld [tilespmem:$0x2690]  }
0xd9: {  	v32 =	vld [tilespmem:$0x2710]  }
0xda: {  	v33 =	vld [tilespmem:$0x2790]  }
0xdb: {  	v34 =	vld [tilespmem:$0x2810]  }
0xdc: {  	v35 =	vld [tilespmem:$0x2890]  }
0xdd: {  	v40 =	vld [tilespmem:$0x2910]  }
0xde: {  	v17 =	vld [tilespmem:$0x2420]  }
0xdf: {  	v42 =	vld [tilespmem:$0x24A0]  }
0xe0: {  	v43 =	vld [tilespmem:$0x2520]  }
0xe1: {  	v44 =	vld [tilespmem:$0x25A0]  }
0xe2: {  	v45 =	vld [tilespmem:$0x2620]  }
0xe3: {  	v46 =	vld [tilespmem:$0x26A0]  }
0xe4: {  	v47 =	vld [tilespmem:$0x2720]  }
0xe5: {  	v48 =	vld [tilespmem:$0x27A0]  }
0xe6: {  	v49 =	vld [tilespmem:$0x2820]  }
0xe7: {  	v50 =	vld [tilespmem:$0x28A0]  }
0xe8: {  	v51 =	vld [tilespmem:$0x2920]  }
0xe9: {  	v52 =	vld [tilespmem:$0x29A0]  }
0xea: {  	v53 =	vld [tilespmem:$0x2A20]  }
0xeb: {  	v54 =	vld [tilespmem:$0x2AA0]  }
0xec: {  	v57 =	vld [tilespmem:$0x2430]  }
0xed: {  	v58 =	vld [tilespmem:$0x24B0]  }
0xee: {  	v59 =	vld [tilespmem:$0x2530]  }
0xef: {  	v60 =	vld [tilespmem:$0x25B0]  }
0xf0: {  	[tilespmem:$0x1FEF0] =	vst v9;
	v9 =	vld [tilespmem:$0x2900]  }
0xf1: {  	v61 =	vld [tilespmem:$0x2630]  }
0xf2: {  	v62 =	vld [tilespmem:$0x26B0]  }
0xf3: {  	v63 =	vld [tilespmem:$0x2730]  }
0xf4: {  	v10 =	vld [tilespmem:$0x2830]  }
0xf5: {  	[tilespmem:$0x1FF00] =	vst v9;
	v9 =	vld [tilespmem:$0x2980]  }
0xf6: {  	v12 =	vld [tilespmem:$0x28B0]  }
0xf7: {  	v18 =	vld [tilespmem:$0x2930]  }
0xf8: {  	v20 =	vld [tilespmem:$0x29B0]  }
0xf9: {  	v22 =	vld [tilespmem:$0x2A30]  }
0xfa: {  	[tilespmem:$0x1FF10] =	vst v9;
	v9 =	vld [tilespmem:$0x2A00]  }
0xfb: {  	v24 =	vld [tilespmem:$0x2AB0]  }
0xfc: {  	v26 =	vld [tilespmem:$0x2B30]  }
0xfd: {  	v38 =	vld [tilespmem:$0x2BB0]  }
0xfe: {  	v36 =	vld [tilespmem:$0x2440]  }
0xff: {  	[tilespmem:$0x1FF30] =	vst v9;
	v9 =	vld [tilespmem:$0x2A80]  }
0x100: {  	v56 =	vld [tilespmem:$0x2640]  }
0x101: {  	v27 =	vld [tilespmem:$0x24C0]  }
0x102: {  	v39 =	vld [tilespmem:$0x2540]  }
0x103: {  	v55 =	vld [tilespmem:$0x25C0]  }
0x104: {  	[tilespmem:$0x1FF50] =	vst v9;
	v9 =	vld [tilespmem:$0x2B00]  }
0x105: {  	[tilespmem:$0x1FFD0] =	vst v56;
	v56 =	vld [tilespmem:$0x26C0]  }
0x106: {  	v11 =	vadd.f32 v11, v13;
	v13 =	vld [tilespmem:$0x27C0]  }
0x107: {  	v14 =	vadd.f32 v16, v14;
	v16 =	vld [tilespmem:$0x2840]  }
0x108: {  	v11 =	vadd.f32 v15, v11;
	v15 =	vadd.f32 v42, v17;
	v17 =	vld [tilespmem:$0x28C0]  }
0x109: {  	v27 =	vadd.f32 v27, v36;
	[tilespmem:$0x1FF70] =	vst v9;
	v9 =	vld [tilespmem:$0x2B80]  }
0x10a: {  	v42 =	vadd.f32 v28, v14;
	v28 =	vld [tilespmem:$0x2940]  }
0x10b: {  	v14 =	vld [tilespmem:$0x29C0];
	v27 =	vadd.f32 v39, v27  }
0x10c: {  	v29 =	vadd.f32 v29, v42;
	v42 =	vld [tilespmem:$0x24D0]  }
0x10d: {  	v27 =	vadd.f32 v55, v27;
	v55 =	vld [tilespmem:$0x2670]  }
0x10e: {  	v11 =	vadd.f32 v19, v11;
	[tilespmem:$0x1FF90] =	vst v9;
	v9 =	vld [tilespmem:$0x2990]  }
0x10f: {  	v57 =	vadd.f32 v58, v57;
	[tilespmem:$0x1FFE0] =	vst v56;
	v56 =	vld [tilespmem:$0x2740]  }
0x110: {  	v58 =	vadd.f32 v21, v11;
	v11 =	vld [tilespmem:$0x2AC0];
	v29 =	vadd.f32 v30, v29  }
0x111: {  	v57 =	vadd.f32 v59, v57;
	v21 =	vld [tilespmem:$0x2B40]  }
0x112: {  	v29 =	vadd.f32 v31, v29;
	v31 =	vld [tilespmem:$0x2450]  }
0x113: {  	v59 =	vadd.f32 v60, v57;
	[tilespmem:$0x1FF20] =	vst v9;
	v9 =	vld [tilespmem:$0x2A10]  }
0x114: {  	v23 =	vadd.f32 v23, v58;
	v58 =	vld [tilespmem:$0x24E0]  }
0x115: {  	v30 =	vadd.f32 v61, v59;
	[tilespmem:$0x1FFF0] =	vst v56;
	v56 =	vadd.f32 v43, v15;
	v15 =	vld [tilespmem:$0x2A40]  }
0x116: {  	v29 =	vadd.f32 v32, v29;
	v32 =	vld [tilespmem:$0x2550]  }
0x117: {  	v30 =	vadd.f32 v62, v30;
	v43 =	vld [tilespmem:$0x2AD0]  }
0x118: {  	v23 =	vadd.f32 v25, v23;
	[tilespmem:$0x1FF40] =	vst v9;
	v9 =	vld [tilespmem:$0x2A90]  }
0x119: {  	v30 =	vadd.f32 v63, v30;
	v63 =	vld [tilespmem:$0x24F0]  }
0x11a: {  	v23 =	vadd.f32 v37, v23;
	v37 =	vld [tilespmem:$0x25D0]  }
0x11b: {  	v29 =	vadd.f32 v33, v29;
	v33 =	vld [tilespmem:$0x2650]  }
0x11c: {  	v19 =	vadd.f32 v44, v56;
	v44 =	vld [tilespmem:$0x2BD0]  }
0x11d: {  	[tilespmem:$0x1FF60] =	vst v9;
	v9 =	vld [tilespmem:$0x2B10]  }
0x11e: {  	v56 =	vld [tilespmem:$0x2460]  }
0x11f: {  	v31 =	vadd.f32 v42, v31;
	v42 =	vld [tilespmem:$0x2860]  }
0x120: {  	v60 =	vadd.f32 v45, v19;
	v19 =	vld [tilespmem:$0x2BC0]  }
0x121: {  	v23 =	vadd.f32 v41, v23;
	v41 =	vld [tilespmem:$0x26D0]  }
0x122: {  	[tilespmem:$0x1FF80] =	vst v9;
	v9 =	vld [tilespmem:$0x2B90]  }
0x123: {  	v29 =	vadd.f32 v34, v29;
	v34 =	vld [tilespmem:$0x27D0]  }
0x124: {  	v45 =	vadd.f32 v46, v60;
	v46 =	vld [tilespmem:$0x1FEF0]  }
0x125: {  	v29 =	vadd.f32 v35, v29;
	v35 =	vld [tilespmem:$0x28D0]  }
0x126: {  	v60 =	vld [tilespmem:$0x2470];
	v25 =	vadd.f32 v47, v45  }
0x127: {  	v31 =	vadd.f32 v32, v31;
	[tilespmem:$0x1FFB0] =	vst v9;
	v9 =	vld [tilespmem:$0x2B20]  }
0x128: {  	v47 =	vld [tilespmem:$0x1FF00];
	v25 =	vadd.f32 v48, v25  }
0x129: {  	v31 =	vadd.f32 v37, v31;
	v29 =	vadd.f32 v40, v29;
	v40 =	vld [tilespmem:$0x29D0]  }
0x12a: {  	v45 =	vld [tilespmem:$0x2870];
	v25 =	vadd.f32 v49, v25  }
0x12b: {  	v31 =	vadd.f32 v33, v31;
	v48 =	vld [tilespmem:$0x1FF10]  }
0x12c: {  	v25 =	vadd.f32 v50, v25;
	[tilespmem:$0x1FFA0] =	vst v9;
	v9 =	vld [tilespmem:$0x2BA0]  }
0x12d: {  	v23 =	vadd.f32 v46, v23;
	v31 =	vadd.f32 v41, v31;
	v41 =	vld [tilespmem:$0x27F0]  }
0x12e: {  	v50 =	vld [tilespmem:$0x1FF30];
	v25 =	vadd.f32 v51, v25  }
0x12f: {  	v23 =	vadd.f32 v47, v23;
	v57 =	vld [tilespmem:$0x1FF70]  }
0x130: {  	v25 =	vadd.f32 v52, v25;
	v52 =	vld [tilespmem:$0x1FF50]  }
0x131: {  	v23 =	vadd.f32 v48, v23;
	[tilespmem:$0x1FFC0] =	vst v9;
	v9 =	vld [tilespmem:$0x27B0]  }
0x132: {  	v25 =	vadd.f32 v53, v25;
	v61 =	vld [tilespmem:$0x1FF90]  }
0x133: {  	v23 =	vadd.f32 v50, v23;
	v49 =	vld [tilespmem:$0x1FF20]  }
0x134: {  	v25 =	vadd.f32 v54, v25;
	v54 =	vld [tilespmem:$0x2660]  }
0x135: {  	v23 =	vadd.f32 v52, v23;
	v51 =	vld [tilespmem:$0x1FF40]  }
0x136: {  	v52 =	vld [tilespmem:$0x25E0];
	v9 =	vadd.f32 v9, v30  }
0x137: {  	v23 =	vadd.f32 v57, v23;
	v53 =	vld [tilespmem:$0x1FF60]  }
0x138: {  	v57 =	vld [tilespmem:$0x1FFD0];
	v29 =	vadd.f32 v49, v29;
	v9 =	vadd.f32 v10, v9  }
0x139: {  	v49 =	vld [tilespmem:$0x2560]  }
0x13a: {  	v29 =	vadd.f32 v51, v29;
	v51 =	vld [tilespmem:$0x2570];
	v9 =	vadd.f32 v12, v9  }
0x13b: {  	v59 =	vld [tilespmem:$0x1FF80]  }
0x13c: {  	v29 =	vadd.f32 v53, v29;
	v53 =	vld [tilespmem:$0x25F0];
	v9 =	vadd.f32 v18, v9  }
0x13d: {  	v48 =	vld [tilespmem:$0x1FFB0]  }
0x13e: {  	v62 =	vld [tilespmem:$0x1FFA0];
	v9 =	vadd.f32 v20, v9  }
0x13f: {  	v23 =	vadd.f32 v61, v23;
	v50 =	vld [tilespmem:$0x1FFC0]  }
0x140: {  	v27 =	vadd.f32 v57, v27;
	v30 =	vld [tilespmem:$0x2750];
	v9 =	vadd.f32 v22, v9  }
0x141: {  	v29 =	vadd.f32 v59, v29;
	v10 =	vld [tilespmem:$0x2850];
	v22 =	vadd.f32 v58, v56  }
0x142: {  	v9 =	vadd.f32 v24, v9;
	v24 =	vadd.f32 v63, v60;
	v60 =	vld [tilespmem:$0x1FFE0]  }
0x143: {  	v25 =	vadd.f32 v62, v25;
	v56 =	vld [tilespmem:$0x26E0];
	v22 =	vadd.f32 v49, v22  }
0x144: {  	v29 =	vadd.f32 v48, v29;
	v63 =	vld [tilespmem:$0x1FFF0];
	v24 =	vadd.f32 v51, v24  }
0x145: {  	v25 =	vadd.f32 v50, v25;
	v58 =	vld [tilespmem:$0x26F0];
	v22 =	vadd.f32 v52, v22  }
0x146: {  	v59 =	vld [tilespmem:$0x2760];
	v30 =	vadd.f32 v30, v31;
	v24 =	vadd.f32 v53, v24  }
0x147: {  	v61 =	vld [tilespmem:$0x2770];
	v22 =	vadd.f32 v54, v22;
	v27 =	vadd.f32 v60, v27  }
0x148: {  	v62 =	vld [tilespmem:$0x27E0];
	v30 =	vadd.f32 v34, v30;
	v24 =	vadd.f32 v55, v24  }
0x149: {  	v12 =	vld [tilespmem:$0x2950];
	v22 =	vadd.f32 v56, v22;
	v27 =	vadd.f32 v63, v27  }
0x14a: {  	v46 =	vld [tilespmem:$0x28E0];
	v10 =	vadd.f32 v10, v30;
	v24 =	vadd.f32 v58, v24  }
0x14b: {  	v57 =	vld [tilespmem:$0x2AE0];
	v22 =	vadd.f32 v59, v22;
	v13 =	vadd.f32 v13, v27  }
0x14c: {  	v48 =	vld [tilespmem:$0x28F0];
	v10 =	vadd.f32 v35, v10;
	v24 =	vadd.f32 v61, v24  }
0x14d: {  	v50 =	vld [tilespmem:$0x2970];
	v47 =	vadd.f32 v62, v22;
	v13 =	vadd.f32 v16, v13  }
0x14e: {  	v49 =	vld [tilespmem:$0x2960];
	v10 =	vadd.f32 v12, v10;
	v24 =	vadd.f32 v41, v24  }
0x14f: {  	v18 =	vld [tilespmem:$0x2A50];
	v16 =	vadd.f32 v42, v47;
	v13 =	vadd.f32 v17, v13  }
0x150: {  	v9 =	vadd.f32 v26, v9;
	v51 =	vld [tilespmem:$0x29E0];
	v24 =	vadd.f32 v45, v24  }
0x151: {  	v52 =	vld [tilespmem:$0x29F0];
	v16 =	vadd.f32 v46, v16;
	v13 =	vadd.f32 v28, v13  }
0x152: {  	v10 =	vadd.f32 v40, v10;
	v54 =	vld [tilespmem:$0x2A60];
	v53 =	vadd.f32 v48, v24  }
0x153: {  	v56 =	vld [tilespmem:$0x2A70];
	v55 =	vadd.f32 v49, v16;
	v13 =	vadd.f32 v14, v13  }
0x154: {  	v20 =	vld [tilespmem:$0x2B50];
	v9 =	vadd.f32 v38, v9;
	v12 =	vadd.f32 v50, v53  }
0x155: {  	v58 =	vld [tilespmem:$0x2AF0];
	v14 =	vadd.f32 v51, v55;
	v13 =	vadd.f32 v15, v13  }
0x156: {  	v10 =	vadd.f32 v18, v10;
	v59 =	vld [tilespmem:$0x2B60];
	v12 =	vadd.f32 v52, v12  }
0x157: {  	v61 =	vld [tilespmem:$0x2B70];
	v60 =	vadd.f32 v54, v14;
	v11 =	vadd.f32 v11, v13  }
0x158: {  	v10 =	vadd.f32 v43, v10;
	v62 =	vld [tilespmem:$0x2BE0];
	v12 =	vadd.f32 v56, v12  }
0x159: {  	[tilespmem:$0x2400] =	vst v23;
	v63 =	vld [tilespmem:$0x2BF0];
	v13 =	vadd.f32 v57, v60;
	v11 =	vadd.f32 v21, v11  }
0x15a: {  	[tilespmem:$0x2410] =	vst v29;
	v10 =	vadd.f32 v20, v10;
	v12 =	vadd.f32 v58, v12  }
0x15b: {  	[tilespmem:$0x2420] =	vst v25;
	v13 =	vadd.f32 v59, v13;
	v11 =	vadd.f32 v19, v11  }
0x15c: {  	[tilespmem:$0x2430] =	vst v9;
	v9 =	vadd.f32 v44, v10;
	v10 =	vadd.f32 v61, v12  }
0x15d: {  	[tilespmem:$0x2440] =	vst v11;
	v11 =	vadd.f32 v62, v13  }
0x15e: {  	[tilespmem:$0x2450] =	vst v9;
	v9 =	vadd.f32 v63, v10  }
0x15f: {  	[tilespmem:$0x2460] =	vst v11  }
0x160: {  	[tilespmem:$0x2470] =	vst v9  }
0x161: {  	[spmem:s5] =	stream.linear.scatter [tilespmem:s9], [sflag:$0x1], $0x80, $0x38;
	[tilespmem:$0x3480] =	vst v63  }
.Ltmp3:
0x162: {  	_ =	swait.ge [sflag:s8], $0x80;
	(pc) =	sbr.rel @p0 .LBB2_5-.Ltmp3, $3  }
0x163: {  	[sflag:s8] =	ssyncset.done $0x0  }
0x164: {  	[sflag:s8] =	ssyncadd.s32 $0xFFFFFF80  }
0x165: {  	[bflag:$0x0] =	sbarrier.arrive $0xFFFF;
	_ =	sdelay $0x1  }
0x166: {  	[tilespmem:s10], [sflag:$0x1] =	stream.linear.gather [spmem:s1], $0x800, $0x38;
	[tilespmem:$0x3480] =	vst v63  }
0x167: {  	_ =	swait.ge [sflag:s8], $0x800  }
0x168: {  	[sflag:s8] =	ssyncset.done $0x0  }
0x169: {  	[sflag:s8] =	ssyncadd.s32 $0xFFFFF800  }
0x16a: {  	v13 =	vld [tilespmem:$0x2C00]  }
0x16b: {  	v11 =	vld [tilespmem:$0x2C80]  }
0x16c: {  	v15 =	vld [tilespmem:$0x2D00]  }
0x16d: {  	v19 =	vld [tilespmem:$0x2D80]  }
0x16e: {  	v21 =	vld [tilespmem:$0x2E00]  }
0x16f: {  	v23 =	vld [tilespmem:$0x2E80]  }
0x170: {  	v25 =	vld [tilespmem:$0x2F00]  }
0x171: {  	v37 =	vld [tilespmem:$0x2F80]  }
0x172: {  	v41 =	vld [tilespmem:$0x3000]  }
0x173: {  	v9 =	vld [tilespmem:$0x3080]  }
0x174: {  	v14 =	vld [tilespmem:$0x2C10]  }
0x175: {  	v16 =	vld [tilespmem:$0x2C90]  }
0x176: {  	v28 =	vld [tilespmem:$0x2D10]  }
0x177: {  	v29 =	vld [tilespmem:$0x2D90]  }
0x178: {  	v30 =	vld [tilespmem:$0x2E10]  }
0x179: {  	v31 =	vld [tilespmem:$0x2E90]  }
0x17a: {  	v32 =	vld [tilespmem:$0x2F10]  }
0x17b: {  	v33 =	vld [tilespmem:$0x2F90]  }
0x17c: {  	v34 =	vld [tilespmem:$0x3010]  }
0x17d: {  	v35 =	vld [tilespmem:$0x3090]  }
0x17e: {  	v40 =	vld [tilespmem:$0x3110]  }
0x17f: {  	v17 =	vld [tilespmem:$0x2C20]  }
0x180: {  	v42 =	vld [tilespmem:$0x2CA0]  }
0x181: {  	v43 =	vld [tilespmem:$0x2D20]  }
0x182: {  	v44 =	vld [tilespmem:$0x2DA0]  }
0x183: {  	v45 =	vld [tilespmem:$0x2E20]  }
0x184: {  	v46 =	vld [tilespmem:$0x2EA0]  }
0x185: {  	v47 =	vld [tilespmem:$0x2F20]  }
0x186: {  	v48 =	vld [tilespmem:$0x2FA0]  }
0x187: {  	v49 =	vld [tilespmem:$0x3020]  }
0x188: {  	v50 =	vld [tilespmem:$0x30A0]  }
0x189: {  	v51 =	vld [tilespmem:$0x3120]  }
0x18a: {  	v52 =	vld [tilespmem:$0x31A0]  }
0x18b: {  	v53 =	vld [tilespmem:$0x3220]  }
0x18c: {  	v54 =	vld [tilespmem:$0x32A0]  }
0x18d: {  	v57 =	vld [tilespmem:$0x2C30]  }
0x18e: {  	v58 =	vld [tilespmem:$0x2CB0]  }
0x18f: {  	v59 =	vld [tilespmem:$0x2D30]  }
0x190: {  	v60 =	vld [tilespmem:$0x2DB0]  }
0x191: {  	[tilespmem:$0x1FDE0] =	vst v9;
	v9 =	vld [tilespmem:$0x3100]  }
0x192: {  	v61 =	vld [tilespmem:$0x2E30]  }
0x193: {  	v62 =	vld [tilespmem:$0x2EB0]  }
0x194: {  	v63 =	vld [tilespmem:$0x2F30]  }
0x195: {  	v10 =	vld [tilespmem:$0x3030]  }
0x196: {  	[tilespmem:$0x1FDF0] =	vst v9;
	v9 =	vld [tilespmem:$0x3180]  }
0x197: {  	v12 =	vld [tilespmem:$0x30B0]  }
0x198: {  	v18 =	vld [tilespmem:$0x3130]  }
0x199: {  	v20 =	vld [tilespmem:$0x31B0]  }
0x19a: {  	v22 =	vld [tilespmem:$0x3230]  }
0x19b: {  	[tilespmem:$0x1FE00] =	vst v9;
	v9 =	vld [tilespmem:$0x3200]  }
0x19c: {  	v24 =	vld [tilespmem:$0x32B0]  }
0x19d: {  	v26 =	vld [tilespmem:$0x3330]  }
0x19e: {  	v38 =	vld [tilespmem:$0x33B0]  }
0x19f: {  	v36 =	vld [tilespmem:$0x2C40]  }
0x1a0: {  	[tilespmem:$0x1FE20] =	vst v9;
	v9 =	vld [tilespmem:$0x3280]  }
0x1a1: {  	v56 =	vld [tilespmem:$0x2E40]  }
0x1a2: {  	v27 =	vld [tilespmem:$0x2CC0]  }
0x1a3: {  	v39 =	vld [tilespmem:$0x2D40]  }
0x1a4: {  	v55 =	vld [tilespmem:$0x2DC0]  }
0x1a5: {  	[tilespmem:$0x1FE40] =	vst v9;
	v9 =	vld [tilespmem:$0x3300]  }
0x1a6: {  	[tilespmem:$0x1FEC0] =	vst v56;
	v56 =	vld [tilespmem:$0x2EC0]  }
0x1a7: {  	v11 =	vadd.f32 v11, v13;
	v13 =	vld [tilespmem:$0x2FC0]  }
0x1a8: {  	v14 =	vadd.f32 v16, v14;
	v16 =	vld [tilespmem:$0x3040]  }
0x1a9: {  	v11 =	vadd.f32 v15, v11;
	v15 =	vadd.f32 v42, v17;
	v17 =	vld [tilespmem:$0x30C0]  }
0x1aa: {  	v27 =	vadd.f32 v27, v36;
	[tilespmem:$0x1FE60] =	vst v9;
	v9 =	vld [tilespmem:$0x3380]  }
0x1ab: {  	v42 =	vadd.f32 v28, v14;
	v28 =	vld [tilespmem:$0x3140]  }
0x1ac: {  	v14 =	vld [tilespmem:$0x31C0];
	v27 =	vadd.f32 v39, v27  }
0x1ad: {  	v29 =	vadd.f32 v29, v42;
	v42 =	vld [tilespmem:$0x2CD0]  }
0x1ae: {  	v27 =	vadd.f32 v55, v27;
	v55 =	vld [tilespmem:$0x2E70]  }
0x1af: {  	v11 =	vadd.f32 v19, v11;
	[tilespmem:$0x1FE80] =	vst v9;
	v9 =	vld [tilespmem:$0x3190]  }
0x1b0: {  	v57 =	vadd.f32 v58, v57;
	[tilespmem:$0x1FED0] =	vst v56;
	v56 =	vld [tilespmem:$0x2F40]  }
0x1b1: {  	v58 =	vadd.f32 v21, v11;
	v11 =	vld [tilespmem:$0x32C0];
	v29 =	vadd.f32 v30, v29  }
0x1b2: {  	v57 =	vadd.f32 v59, v57;
	v21 =	vld [tilespmem:$0x3340]  }
0x1b3: {  	v29 =	vadd.f32 v31, v29;
	v31 =	vld [tilespmem:$0x2C50]  }
0x1b4: {  	v59 =	vadd.f32 v60, v57;
	[tilespmem:$0x1FE10] =	vst v9;
	v9 =	vld [tilespmem:$0x3210]  }
0x1b5: {  	v23 =	vadd.f32 v23, v58;
	v58 =	vld [tilespmem:$0x2CE0]  }
0x1b6: {  	v30 =	vadd.f32 v61, v59;
	[tilespmem:$0x1FEE0] =	vst v56;
	v56 =	vadd.f32 v43, v15;
	v15 =	vld [tilespmem:$0x3240]  }
0x1b7: {  	v29 =	vadd.f32 v32, v29;
	v32 =	vld [tilespmem:$0x2D50]  }
0x1b8: {  	v30 =	vadd.f32 v62, v30;
	v43 =	vld [tilespmem:$0x32D0]  }
0x1b9: {  	v23 =	vadd.f32 v25, v23;
	[tilespmem:$0x1FE30] =	vst v9;
	v9 =	vld [tilespmem:$0x3290]  }
0x1ba: {  	v30 =	vadd.f32 v63, v30;
	v63 =	vld [tilespmem:$0x2CF0]  }
0x1bb: {  	v23 =	vadd.f32 v37, v23;
	v37 =	vld [tilespmem:$0x2DD0]  }
0x1bc: {  	v29 =	vadd.f32 v33, v29;
	v33 =	vld [tilespmem:$0x2E50]  }
0x1bd: {  	v19 =	vadd.f32 v44, v56;
	v44 =	vld [tilespmem:$0x33D0]  }
0x1be: {  	[tilespmem:$0x1FE50] =	vst v9;
	v9 =	vld [tilespmem:$0x3310]  }
0x1bf: {  	v56 =	vld [tilespmem:$0x2C60]  }
0x1c0: {  	v31 =	vadd.f32 v42, v31;
	v42 =	vld [tilespmem:$0x3060]  }
0x1c1: {  	v60 =	vadd.f32 v45, v19;
	v19 =	vld [tilespmem:$0x33C0]  }
0x1c2: {  	v23 =	vadd.f32 v41, v23;
	v41 =	vld [tilespmem:$0x2ED0]  }
0x1c3: {  	[tilespmem:$0x1FE70] =	vst v9;
	v9 =	vld [tilespmem:$0x3390]  }
0x1c4: {  	v29 =	vadd.f32 v34, v29;
	v34 =	vld [tilespmem:$0x2FD0]  }
0x1c5: {  	v45 =	vadd.f32 v46, v60;
	v46 =	vld [tilespmem:$0x1FDE0]  }
0x1c6: {  	v29 =	vadd.f32 v35, v29;
	v35 =	vld [tilespmem:$0x30D0]  }
0x1c7: {  	v60 =	vld [tilespmem:$0x2C70];
	v25 =	vadd.f32 v47, v45  }
0x1c8: {  	v31 =	vadd.f32 v32, v31;
	[tilespmem:$0x1FEA0] =	vst v9;
	v9 =	vld [tilespmem:$0x3320]  }
0x1c9: {  	v47 =	vld [tilespmem:$0x1FDF0];
	v25 =	vadd.f32 v48, v25  }
0x1ca: {  	v31 =	vadd.f32 v37, v31;
	v29 =	vadd.f32 v40, v29;
	v40 =	vld [tilespmem:$0x31D0]  }
0x1cb: {  	v45 =	vld [tilespmem:$0x3070];
	v25 =	vadd.f32 v49, v25  }
0x1cc: {  	v31 =	vadd.f32 v33, v31;
	v48 =	vld [tilespmem:$0x1FE00]  }
0x1cd: {  	v25 =	vadd.f32 v50, v25;
	[tilespmem:$0x1FE90] =	vst v9;
	v9 =	vld [tilespmem:$0x33A0]  }
0x1ce: {  	v23 =	vadd.f32 v46, v23;
	v31 =	vadd.f32 v41, v31;
	v41 =	vld [tilespmem:$0x2FF0]  }
0x1cf: {  	v50 =	vld [tilespmem:$0x1FE20];
	v25 =	vadd.f32 v51, v25  }
0x1d0: {  	v23 =	vadd.f32 v47, v23;
	v57 =	vld [tilespmem:$0x1FE60]  }
0x1d1: {  	v25 =	vadd.f32 v52, v25;
	v52 =	vld [tilespmem:$0x1FE40]  }
0x1d2: {  	v23 =	vadd.f32 v48, v23;
	[tilespmem:$0x1FEB0] =	vst v9;
	v9 =	vld [tilespmem:$0x2FB0]  }
0x1d3: {  	v25 =	vadd.f32 v53, v25;
	v61 =	vld [tilespmem:$0x1FE80]  }
0x1d4: {  	v23 =	vadd.f32 v50, v23;
	v49 =	vld [tilespmem:$0x1FE10]  }
0x1d5: {  	v25 =	vadd.f32 v54, v25;
	v54 =	vld [tilespmem:$0x2E60]  }
0x1d6: {  	v23 =	vadd.f32 v52, v23;
	v51 =	vld [tilespmem:$0x1FE30]  }
0x1d7: {  	v52 =	vld [tilespmem:$0x2DE0];
	v9 =	vadd.f32 v9, v30  }
0x1d8: {  	v23 =	vadd.f32 v57, v23;
	v53 =	vld [tilespmem:$0x1FE50]  }
0x1d9: {  	v57 =	vld [tilespmem:$0x1FEC0];
	v29 =	vadd.f32 v49, v29;
	v9 =	vadd.f32 v10, v9  }
0x1da: {  	v49 =	vld [tilespmem:$0x2D60]  }
0x1db: {  	v29 =	vadd.f32 v51, v29;
	v51 =	vld [tilespmem:$0x2D70];
	v9 =	vadd.f32 v12, v9  }
0x1dc: {  	v59 =	vld [tilespmem:$0x1FE70]  }
0x1dd: {  	v29 =	vadd.f32 v53, v29;
	v53 =	vld [tilespmem:$0x2DF0];
	v9 =	vadd.f32 v18, v9  }
0x1de: {  	v48 =	vld [tilespmem:$0x1FEA0]  }
0x1df: {  	v62 =	vld [tilespmem:$0x1FE90];
	v9 =	vadd.f32 v20, v9  }
0x1e0: {  	v23 =	vadd.f32 v61, v23;
	v50 =	vld [tilespmem:$0x1FEB0]  }
0x1e1: {  	v27 =	vadd.f32 v57, v27;
	v30 =	vld [tilespmem:$0x2F50];
	v9 =	vadd.f32 v22, v9  }
0x1e2: {  	v29 =	vadd.f32 v59, v29;
	v10 =	vld [tilespmem:$0x3050];
	v22 =	vadd.f32 v58, v56  }
0x1e3: {  	v9 =	vadd.f32 v24, v9;
	v24 =	vadd.f32 v63, v60;
	v60 =	vld [tilespmem:$0x1FED0]  }
0x1e4: {  	v25 =	vadd.f32 v62, v25;
	v56 =	vld [tilespmem:$0x2EE0];
	v22 =	vadd.f32 v49, v22  }
0x1e5: {  	v29 =	vadd.f32 v48, v29;
	v63 =	vld [tilespmem:$0x1FEE0];
	v24 =	vadd.f32 v51, v24  }
0x1e6: {  	v25 =	vadd.f32 v50, v25;
	v58 =	vld [tilespmem:$0x2EF0];
	v22 =	vadd.f32 v52, v22  }
0x1e7: {  	v59 =	vld [tilespmem:$0x2F60];
	v30 =	vadd.f32 v30, v31;
	v24 =	vadd.f32 v53, v24  }
0x1e8: {  	v61 =	vld [tilespmem:$0x2F70];
	v22 =	vadd.f32 v54, v22;
	v27 =	vadd.f32 v60, v27  }
0x1e9: {  	v62 =	vld [tilespmem:$0x2FE0];
	v30 =	vadd.f32 v34, v30;
	v24 =	vadd.f32 v55, v24  }
0x1ea: {  	v12 =	vld [tilespmem:$0x3150];
	v22 =	vadd.f32 v56, v22;
	v27 =	vadd.f32 v63, v27  }
0x1eb: {  	v46 =	vld [tilespmem:$0x30E0];
	v10 =	vadd.f32 v10, v30;
	v24 =	vadd.f32 v58, v24  }
0x1ec: {  	v57 =	vld [tilespmem:$0x32E0];
	v22 =	vadd.f32 v59, v22;
	v13 =	vadd.f32 v13, v27  }
0x1ed: {  	v48 =	vld [tilespmem:$0x30F0];
	v10 =	vadd.f32 v35, v10;
	v24 =	vadd.f32 v61, v24  }
0x1ee: {  	v50 =	vld [tilespmem:$0x3170];
	v47 =	vadd.f32 v62, v22;
	v13 =	vadd.f32 v16, v13  }
0x1ef: {  	v49 =	vld [tilespmem:$0x3160];
	v10 =	vadd.f32 v12, v10;
	v24 =	vadd.f32 v41, v24  }
0x1f0: {  	v18 =	vld [tilespmem:$0x3250];
	v16 =	vadd.f32 v42, v47;
	v13 =	vadd.f32 v17, v13  }
0x1f1: {  	v9 =	vadd.f32 v26, v9;
	v51 =	vld [tilespmem:$0x31E0];
	v24 =	vadd.f32 v45, v24  }
0x1f2: {  	v52 =	vld [tilespmem:$0x31F0];
	v16 =	vadd.f32 v46, v16;
	v13 =	vadd.f32 v28, v13  }
0x1f3: {  	v10 =	vadd.f32 v40, v10;
	v54 =	vld [tilespmem:$0x3260];
	v53 =	vadd.f32 v48, v24  }
0x1f4: {  	v56 =	vld [tilespmem:$0x3270];
	v55 =	vadd.f32 v49, v16;
	v13 =	vadd.f32 v14, v13  }
0x1f5: {  	v20 =	vld [tilespmem:$0x3350];
	v9 =	vadd.f32 v38, v9;
	v12 =	vadd.f32 v50, v53  }
0x1f6: {  	v58 =	vld [tilespmem:$0x32F0];
	v14 =	vadd.f32 v51, v55;
	v13 =	vadd.f32 v15, v13  }
0x1f7: {  	v10 =	vadd.f32 v18, v10;
	v59 =	vld [tilespmem:$0x3360];
	v12 =	vadd.f32 v52, v12  }
0x1f8: {  	v61 =	vld [tilespmem:$0x3370];
	v60 =	vadd.f32 v54, v14;
	v11 =	vadd.f32 v11, v13  }
0x1f9: {  	v10 =	vadd.f32 v43, v10;
	v62 =	vld [tilespmem:$0x33E0];
	v12 =	vadd.f32 v56, v12  }
0x1fa: {  	[tilespmem:$0x2400] =	vst v23;
	v63 =	vld [tilespmem:$0x33F0];
	v13 =	vadd.f32 v57, v60;
	v11 =	vadd.f32 v21, v11  }
0x1fb: {  	[tilespmem:$0x2410] =	vst v29;
	v10 =	vadd.f32 v20, v10;
	v12 =	vadd.f32 v58, v12  }
0x1fc: {  	[tilespmem:$0x2420] =	vst v25;
	v13 =	vadd.f32 v59, v13;
	v11 =	vadd.f32 v19, v11  }
0x1fd: {  	[tilespmem:$0x2430] =	vst v9;
	v9 =	vadd.f32 v44, v10;
	v10 =	vadd.f32 v61, v12  }
0x1fe: {  	[tilespmem:$0x2440] =	vst v11;
	v11 =	vadd.f32 v62, v13  }
0x1ff: {  	[tilespmem:$0x2450] =	vst v9;
	v9 =	vadd.f32 v63, v10  }
0x200: {  	[tilespmem:$0x2460] =	vst v11  }
.Ltmp4:
0x201: {  	[tilespmem:$0x2470] =	vst v9;
	(pc) =	sbr.rel .LBB2_5-.Ltmp4, $4  }
0x202: {  	[hbm4b:s6+s2] =	stream.linear.scatter [tilespmem:s9], [sflag:$0x1], $0x80, $0x38;
	[tilespmem:$0x3480] =	vst v63  }
0x203: {  	_ =	swait.ge [sflag:s8], $0x80  }
0x204: {  	[sflag:s8] =	ssyncset.done $0x0  }
0x205: {  	[sflag:s8] =	ssyncadd.s32 $0xFFFFFF80  }
.LBB2_6:
0x206: {  	_ =	sfence.sel $0x180000  }
0x207: {  	[bflag:$0x0] =	sbarrier.arrive $0xFFFF  }
0x208: {  	_ =	strace $0x90000047  }
0x209: {  	s0 =	sadd.s32 @!p0 $0x100000, s0;
	[bflag:$0x2] =	sbarrier.arrive $0xFFFF  }
0x20a: {  	[sflag:s0] =	ssyncadd.tile.s32 @!p0 $0x1;
	_ =	shalt  }
.Lfunc_end2:
_tile_overlayer_lowered:
.L_overlay_start_2:
0x20b: {  	(tag) =	ssettag $0x2  }
0x20c: {  	s0 =	rddreg [dreg:$0x0];
	s2 =	stileid.u32  }
0x20d: {  	s1 =	rddreg [dreg:$0x1];
	p0 =	sne.s32 s2, $0x0  }
0x20e: {  	s3 =	rddreg [dreg:$0x2];
	[bflag:$0x3] =	sbarrier.arrive $0xFFFF;
	s2 =	simm.s32 @!p0 $0x1C01  }
0x20f: {  	[timem:s3], [sflag:s2] =	dma.local @!p0 [hbm:s0], s1  }
0x210: {  	s0 =	simm.s32 @!p0 $0x1  }
0x211: {  	_ =	swait.ge @!p0 [sflag:s0], s1  }
0x212: {  	s1 =	ssub.s32 @!p0 $0x0, s1;
	[sflag:s0] =	ssyncset.done @!p0 $0x0  }
0x213: {  	[sflag:s0] =	ssyncadd.s32 @!p0 s1  }
0x214: {  	[bflag:$0x3] =	sbarrier.arrive $0xFFFF  }
0x215: {  	_ =	shalt  }

</sc_bundles>
